<compile_context>
chip_gen: v7x
topology: tpu7x:2x2x1
jax: 0.10.2.dev20260603
libtpu: 0.0.44.dev20260713+nightly
codegen_flags: <defaults>
</compile_context>

<pallas_src>
import functools

import jax
import jax.numpy as jnp
from jax import lax
from jax.experimental import pallas as pl
from jax.experimental.pallas import tpu as pltpu
from jax.experimental.pallas import tpu_sc as plsc

COLUMNS = 2048
CELLS_PER_COLUMN = 8
NUM_CELLS = COLUMNS * CELLS_PER_COLUMN
SEGMENTS = 16
SYNAPSES = 64
PERM_THRESHOLD = 0.5
ACTIVATION_THRESHOLD = 10

NC, NS, L = 2, 16, 16
NW = NC * NS
CELLS_PER_W = NUM_CELLS // NW
N_GROUPS = CELLS_PER_W // L


def _sc_body(x_hbm, conn_hbm, vol_hbm,
             act_out, pred_out, acc_out,
             x_v, conn_v, vol_v, act_b, pred_b, acc_b, semc0, semv0):
    wid = lax.axis_index("s") * NC + lax.axis_index("c")
    cell0 = wid * CELLS_PER_W
    iota = lax.iota(jnp.int32, L)

    pltpu.sync_copy(x_hbm, x_v)

    def clr_body(g, _):
        pred_b[pl.ds(g * L, L)] = jnp.zeros((L,), jnp.int32)
        return 0

    lax.fori_loop(0, N_GROUPS, clr_body, 0)

    def seg_body(s, _):
        h1 = pltpu.async_copy(
            conn_hbm.at[pl.ds(s, 1), :, pl.ds(cell0, CELLS_PER_W)], conn_v,
            semc0)
        h2 = pltpu.async_copy(
            vol_hbm.at[pl.ds(s, 1), :, pl.ds(cell0, CELLS_PER_W)], vol_v,
            semv0)
        h1.wait()
        h2.wait()

        def grp_body(g, _):
            gc = g * L
            cnt = jnp.zeros((L,), jnp.int32)
            for j in range(SYNAPSES):
                c = conn_v[0, j, pl.ds(gc, L)]
                v = vol_v[0, j, pl.ds(gc, L)]
                a = plsc.load_gather(x_v, [lax.shift_right_logical(c, 3)])
                cnt = cnt + jnp.where((v > PERM_THRESHOLD) & (a > 0), 1, 0)
            hit = jnp.where(cnt >= ACTIVATION_THRESHOLD, 1, 0)
            pred_b[pl.ds(gc, L)] = pred_b[pl.ds(gc, L)] | hit
            return 0

        lax.fori_loop(0, N_GROUPS, grp_body, 0)
        return 0

    lax.fori_loop(0, SEGMENTS, seg_body, 0)

    def act_body(i, _):
        cells = cell0 + i * L + iota
        a = plsc.load_gather(x_v, [lax.shift_right_logical(cells, 3)])
        act_b[pl.ds(i * L, L)] = a
        return 0

    lax.fori_loop(0, N_GROUPS, act_body, 0)

    pltpu.sync_copy(act_b, act_out.at[pl.ds(cell0, CELLS_PER_W)])
    pltpu.sync_copy(pred_b, pred_out.at[pl.ds(cell0, CELLS_PER_W)])

    @pl.when(wid == 0)
    def _():
        def red(i, m):
            return jnp.maximum(m, x_v[pl.ds(i * L, L)])

        m = lax.fori_loop(0, COLUMNS // L, red, jnp.zeros((L,), jnp.int32))
        tot = jnp.max(m)
        acc_b[...] = jnp.full((L,), jnp.where(tot > 0, 0.0, 1.0), jnp.float32)
        pltpu.sync_copy(acc_b, acc_out)


_sc_call = functools.partial(
    pl.kernel,
    out_type=(
        jax.ShapeDtypeStruct((NUM_CELLS,), jnp.int32),
        jax.ShapeDtypeStruct((NUM_CELLS,), jnp.int32),
        jax.ShapeDtypeStruct((L,), jnp.float32),
    ),
    mesh=plsc.VectorSubcoreMesh(
        core_axis_name="c", subcore_axis_name="s", num_cores=NC, num_subcores=NS
    ),
    scratch_types=[
        pltpu.VMEM((COLUMNS,), jnp.int32),
        pltpu.VMEM((1, SYNAPSES, CELLS_PER_W), jnp.int32),
        pltpu.VMEM((1, SYNAPSES, CELLS_PER_W), jnp.float32),
        pltpu.VMEM((CELLS_PER_W,), jnp.int32),
        pltpu.VMEM((CELLS_PER_W,), jnp.int32),
        pltpu.VMEM((L,), jnp.float32),
        pltpu.SemaphoreType.DMA,
        pltpu.SemaphoreType.DMA,
    ],
    compiler_params=pltpu.CompilerParams(
        needs_layout_passes=False, use_tc_tiling_on_sc=True),
)(_sc_body)


def kernel(x, distal_connections, volatile_permanences,
           consolidated_permanences, prev_active_cells):
    conn_t = jnp.transpose(distal_connections, (1, 2, 0))
    vol_t = jnp.transpose(volatile_permanences, (1, 2, 0))
    act, pred, accv = _sc_call(x.astype(jnp.int32), conn_t, vol_t)
    return act.astype(jnp.bool_), pred.astype(jnp.bool_), accv[0]

# --- scband reference (transcript-rebuilt; emitter-appended) ---
"""Pipeline reference for scband-temporal-memory-76287209111794 (READ-ONLY COPY).

The authoritative reference and input builder live on the scoring server;
editing this copy changes nothing except your own understanding.
"""

import jax, jax.numpy as jnp
import numpy as np

COLUMNS = 2048
CELLS_PER_COLUMN = 8
NUM_CELLS = COLUMNS * CELLS_PER_COLUMN
SEGMENTS = 16
SYNAPSES = 64
PERM_THRESHOLD = 0.5
ACTIVATION_THRESHOLD = 10


def setup_inputs(seed: int = 0) -> dict:
    key = jax.random.key(seed)
    k1, k2, k3 = jax.random.split(key, 3)
    # sparse binary column activations (SDR input)
    x = jax.random.randint(k1, (COLUMNS,), 0, 2).astype(jnp.int32)
    # learned distal synapse graph: presynaptic cell index per synapse
    distal_connections = jax.random.randint(k2, (NUM_CELLS, SEGMENTS, SYNAPSES), 0, NUM_CELLS).astype(jnp.int32)
    # volatile permanences sampled U(0,1) (post-training state; ~50% connected)
    volatile_permanences = jax.random.uniform(k3, (NUM_CELLS, SEGMENTS, SYNAPSES), dtype=jnp.float32)
    # consolidated permanences start at zero (faithful to __init__)
    consolidated_permanences = jnp.zeros((NUM_CELLS, SEGMENTS, SYNAPSES), dtype=jnp.float32)
    # buffer state at init: no previously active cells
    prev_active_cells = jnp.zeros((NUM_CELLS,), dtype=jnp.bool_)
    return {
        "x": x,
        "distal_connections": distal_connections,
        "volatile_permanences": volatile_permanences,
        "consolidated_permanences": consolidated_permanences,
        "prev_active_cells": prev_active_cells,
    }


def reference(x, distal_connections, volatile_permanences, consolidated_permanences, prev_active_cells):
    # Phase 1: with prev_active_cells all False (init buffer state), every
    # active column has an empty predictive mask and no matching segments,
    # so it bursts: all cells in each active column become active. The
    # _learn call early-returns because prev_active_cells has no active bits.
    active_cols = x != 0
    new_active_cells = jnp.repeat(active_cols, CELLS_PER_COLUMN)  # [NUM_CELLS], contiguous column layout

    # Phase 2: compute predictive state for ALL columns from new active cells
    # (vectorized form of the per-column loop in the torch forward).
    conn = jnp.clip(distal_connections, 0, NUM_CELLS - 1)
    volatile_connected = volatile_permanences > PERM_THRESHOLD
    consolidated_connected = consolidated_permanences > PERM_THRESHOLD
    combined_connected = volatile_connected | consolidated_connected
    presynaptic_was_active = new_active_cells[conn]  # gather over 16.8M indices
    active_synapses_on_segment = jnp.sum(combined_connected & presynaptic_was_active, axis=-1)
    predictive_segments_mask = active_synapses_on_segment >= ACTIVATION_THRESHOLD
    predictive_cells = jnp.any(predictive_segments_mask, axis=-1)  # [NUM_CELLS]

    # accuracy bookkeeping: no column was predicted on this (first) step
    num_active_columns = jnp.sum(active_cols)
    accuracy = jnp.where(num_active_columns > 0, 0.0, 1.0).astype(jnp.float32)
    return new_active_cells, predictive_cells, accuracy

if __name__ == "__main__":
    import jax
    _d = setup_inputs()
    print(jax.jit(kernel)(*tuple(_d.values())))

</pallas_src>

<mosaic_0001>
#map = affine_map<(d0, d1) -> (0)>
#map1 = affine_map<(d0, d1) -> (0, 0, 0)>
module attributes {stable_mosaic.version = 14 : i64} {
  func.func @_sc_body(%arg0: i32, %arg1: i32, %arg2: memref<2048xi32, #tpu.memory_space<hbm>>, %arg3: memref<16x64x16384xi32, #tpu.memory_space<hbm>>, %arg4: memref<16x64x16384xf32, #tpu.memory_space<hbm>>, %arg5: memref<16384xi32, #tpu.memory_space<hbm>>, %arg6: memref<16384xi32, #tpu.memory_space<hbm>>, %arg7: memref<16xf32, #tpu.memory_space<hbm>>, %arg8: memref<2048xi32, #tpu.memory_space<vmem>>, %arg9: memref<1x64x512xi32, #tpu.memory_space<vmem>>, %arg10: memref<1x64x512xf32, #tpu.memory_space<vmem>>, %arg11: memref<512xi32, #tpu.memory_space<vmem>>, %arg12: memref<512xi32, #tpu.memory_space<vmem>>, %arg13: memref<16xf32, #tpu.memory_space<vmem>>, %arg14: memref<!tpu.dma_semaphore, #tpu.memory_space<semaphore_mem>>, %arg15: memref<!tpu.dma_semaphore, #tpu.memory_space<semaphore_mem>>) attributes {dimension_semantics = [#tpu.dimension_semantics<core_parallel>, #tpu.dimension_semantics<subcore_parallel>], iteration_bounds = array<i64: 2, 16>, scalar_prefetch = 0 : i64, scratch_operands = 8 : i64, tpu.core_type = #tpu.core_type<sc_vector_subcore>, window_params = [{transform_indices = #map}, {transform_indices = #map1}, {transform_indices = #map1}, {transform_indices = #map}, {transform_indices = #map}, {transform_indices = #map}]} {
    %mul3A = arith.constant 2 : i32
    %mul3A_0 = arith.muli %arg1, %mul3A : i32
    %add3A = arith.addi %mul3A_0, %arg0 : i32
    %mul3A_1 = arith.constant 512 : i32
    %mul3A_2 = arith.muli %add3A, %mul3A_1 : i32
    %iota3A = tpu.iota {dimensions = array<i32: 0>} : vector<16xi32>
    "tpu.region"() ({
      %run_scoped3A = tpu.sem_alloc : memref<!tpu.dma_semaphore, #tpu.memory_space<semaphore_mem>>
      tpu.enqueue_dma source(%arg2 : memref<2048xi32, #tpu.memory_space<hbm>>) target(%arg8 : memref<2048xi32, #tpu.memory_space<vmem>>) target_semaphore(%run_scoped3A : memref<!tpu.dma_semaphore, #tpu.memory_space<semaphore_mem>>)
      tpu.wait_dma2 semaphore(%run_scoped3A : memref<!tpu.dma_semaphore, #tpu.memory_space<semaphore_mem>>) src(%arg2 : memref<2048xi32, #tpu.memory_space<hbm>>) dst(%arg8 : memref<2048xi32, #tpu.memory_space<vmem>>)
      tpu.yield
    }) : () -> ()
    %scan3A = arith.constant 0 : i32
    %scan3A_3 = arith.constant 0 : i32
    %scan3A_4 = arith.constant 32 : i32
    %scan3A_5 = arith.addi %scan3A_3, %scan3A_4 : i32
    %scan3A_6 = arith.constant 1 : i32
    %scan3A_7 = scf.for %scan3A_25 = %scan3A_3 to %scan3A_5 step %scan3A_6 iter_args(%scan3A_26 = %scan3A) -> (i32)  : i32 {
      %broadcast_in_dim3A = arith.constant 0 : i32
      %broadcast_in_dim3A_27 = vector.broadcast %broadcast_in_dim3A : i32 to vector<16xi32>
      %mul3A_28 = arith.constant 16 : i32
      %mul3A_29 = arith.muli %scan3A_25, %mul3A_28 : i32
      %swap3A = arith.index_cast %mul3A_29 : i32 to index
      %swap3A_30 = tpu.vector_load %arg12[%swap3A] {strides = array<i32>} : memref<512xi32, #tpu.memory_space<vmem>>, vector<16xi32>,
      tpu.vector_store %arg12[%swap3A], %broadcast_in_dim3A_27 {strides = array<i32>} : memref<512xi32, #tpu.memory_space<vmem>>, vector<16xi32>,
      %scan3A_31 = arith.constant 0 : i32
      scf.yield %scan3A_31 : i32
    }
    %scan3A_8 = arith.constant 32 : i32
    %scan3A_9 = arith.constant 0 : i32
    %scan3A_10 = arith.constant 0 : i32
    %scan3A_11 = arith.constant 16 : i32
    %scan3A_12 = arith.addi %scan3A_10, %scan3A_11 : i32
    %scan3A_13 = arith.constant 1 : i32
    %scan3A_14 = scf.for %scan3A_25 = %scan3A_10 to %scan3A_12 step %scan3A_13 iter_args(%scan3A_26 = %scan3A_9) -> (i32)  : i32 {
      %dma_start3A = arith.constant 0 : i32
      %dma_start3A_27 = tpu.memref_slice %arg3[%scan3A_25, %dma_start3A, %mul3A_2] : memref<16x64x16384xi32, #tpu.memory_space<hbm>> -> memref<1x64x512xi32, #tpu.memory_space<hbm>>
      %dma_start3A_28 = arith.constant 0 : i32
      %dma_start3A_29 = tpu.memref_slice %arg3[%scan3A_25, %dma_start3A_28, %mul3A_2] : memref<16x64x16384xi32, #tpu.memory_space<hbm>> -> memref<1x64x512xi32, #tpu.memory_space<hbm>>
      tpu.enqueue_dma source(%dma_start3A_29 : memref<1x64x512xi32, #tpu.memory_space<hbm>>) target(%arg9 : memref<1x64x512xi32, #tpu.memory_space<vmem>>) target_semaphore(%arg14 : memref<!tpu.dma_semaphore, #tpu.memory_space<semaphore_mem>>)
      %dma_start3A_30 = arith.constant 0 : i32
      %dma_start3A_31 = tpu.memref_slice %arg4[%scan3A_25, %dma_start3A_30, %mul3A_2] : memref<16x64x16384xf32, #tpu.memory_space<hbm>> -> memref<1x64x512xf32, #tpu.memory_space<hbm>>
      %dma_start3A_32 = arith.constant 0 : i32
      %dma_start3A_33 = tpu.memref_slice %arg4[%scan3A_25, %dma_start3A_32, %mul3A_2] : memref<16x64x16384xf32, #tpu.memory_space<hbm>> -> memref<1x64x512xf32, #tpu.memory_space<hbm>>
      tpu.enqueue_dma source(%dma_start3A_33 : memref<1x64x512xf32, #tpu.memory_space<hbm>>) target(%arg10 : memref<1x64x512xf32, #tpu.memory_space<vmem>>) target_semaphore(%arg15 : memref<!tpu.dma_semaphore, #tpu.memory_space<semaphore_mem>>)
      %dma_wait3A = arith.constant 0 : i32
      %dma_wait3A_34 = tpu.memref_slice %arg3[%scan3A_25, %dma_wait3A, %mul3A_2] : memref<16x64x16384xi32, #tpu.memory_space<hbm>> -> memref<1x64x512xi32, #tpu.memory_space<hbm>>
      %dma_wait3A_35 = arith.constant 0 : i32
      %dma_wait3A_36 = tpu.memref_slice %arg3[%scan3A_25, %dma_wait3A_35, %mul3A_2] : memref<16x64x16384xi32, #tpu.memory_space<hbm>> -> memref<1x64x512xi32, #tpu.memory_space<hbm>>
      tpu.wait_dma2 semaphore(%arg14 : memref<!tpu.dma_semaphore, #tpu.memory_space<semaphore_mem>>) src(%dma_wait3A_36 : memref<1x64x512xi32, #tpu.memory_space<hbm>>) dst(%arg9 : memref<1x64x512xi32, #tpu.memory_space<vmem>>)
      %dma_wait3A_37 = arith.constant 0 : i32
      %dma_wait3A_38 = tpu.memref_slice %arg4[%scan3A_25, %dma_wait3A_37, %mul3A_2] : memref<16x64x16384xf32, #tpu.memory_space<hbm>> -> memref<1x64x512xf32, #tpu.memory_space<hbm>>
      %dma_wait3A_39 = arith.constant 0 : i32
      %dma_wait3A_40 = tpu.memref_slice %arg4[%scan3A_25, %dma_wait3A_39, %mul3A_2] : memref<16x64x16384xf32, #tpu.memory_space<hbm>> -> memref<1x64x512xf32, #tpu.memory_space<hbm>>
      tpu.wait_dma2 semaphore(%arg15 : memref<!tpu.dma_semaphore, #tpu.memory_space<semaphore_mem>>) src(%dma_wait3A_40 : memref<1x64x512xf32, #tpu.memory_space<hbm>>) dst(%arg10 : memref<1x64x512xf32, #tpu.memory_space<vmem>>)
      %scan3A_41 = arith.constant 0 : i32
      %scan3A_42 = arith.constant 0 : i32
      %scan3A_43 = arith.constant 32 : i32
      %scan3A_44 = arith.addi %scan3A_42, %scan3A_43 : i32
      %scan3A_45 = arith.constant 1 : i32
      %scan3A_46 = scf.for %scan3A_49 = %scan3A_42 to %scan3A_44 step %scan3A_45 iter_args(%scan3A_50 = %scan3A_41) -> (i32)  : i32 {
        %mul3A_51 = arith.constant 16 : i32
        %mul3A_52 = arith.muli %scan3A_49, %mul3A_51 : i32
        %broadcast_in_dim3A = arith.constant 0 : i32
        %broadcast_in_dim3A_53 = vector.broadcast %broadcast_in_dim3A : i32 to vector<16xi32>
        %get3A = arith.constant 0 : i32
        %get3A_54 = arith.constant 0 : i32
        %get3A_55 = arith.index_cast %get3A : i32 to index
        %get3A_56 = arith.index_cast %get3A_54 : i32 to index
        %get3A_57 = arith.index_cast %mul3A_52 : i32 to index
        %get3A_58 = tpu.vector_load %arg9[%get3A_55, %get3A_56, %get3A_57] {strides = array<i32>} : memref<1x64x512xi32, #tpu.memory_space<vmem>>, vector<16xi32>,
        %get3A_59 = arith.constant 0 : i32
        %get3A_60 = arith.constant 0 : i32
        %get3A_61 = arith.index_cast %get3A_59 : i32 to index
        %get3A_62 = arith.index_cast %get3A_60 : i32 to index
        %get3A_63 = arith.index_cast %mul3A_52 : i32 to index
        %get3A_64 = tpu.vector_load %arg10[%get3A_61, %get3A_62, %get3A_63] {strides = array<i32>} : memref<1x64x512xf32, #tpu.memory_space<vmem>>, vector<16xf32>,
        %shift_right_logical3A = arith.constant 3 : i32
        %shift_right_logical3A_65 = vector.broadcast %shift_right_logical3A : i32 to vector<16xi32>
        %shift_right_logical3A_66 = arith.shrui %get3A_58, %shift_right_logical3A_65 : vector<16xi32>
        %gather3A = tpu.vector_load_idx %arg8[%shift_right_logical3A_66] : memref<2048xi32, #tpu.memory_space<vmem>>[vector<16xi32>], vector<16xi32>,
        %gt3A = arith.constant 5.000000e-01 : f32
        %gt3A_67 = vector.broadcast %gt3A : f32 to vector<16xf32>
        %gt3A_68 = arith.cmpf ogt, %get3A_64, %gt3A_67 : vector<16xf32>
        %gt3A_69 = arith.constant 0 : i32
        %gt3A_70 = vector.broadcast %gt3A_69 : i32 to vector<16xi32>
        %gt3A_71 = arith.cmpi sgt, %gather3A, %gt3A_70 : vector<16xi32>
        %and3A = arith.andi %gt3A_68, %gt3A_71 : vector<16xi1>
        %jit3A = arith.constant 1 : i32
        %jit3A_72 = arith.constant 0 : i32
        %broadcast_in_dim3A_73 = vector.broadcast %jit3A : i32 to vector<16xi32>
        %broadcast_in_dim3A_74 = vector.broadcast %jit3A_72 : i32 to vector<16xi32>
        %select_n3A = arith.select %and3A, %broadcast_in_dim3A_73, %broadcast_in_dim3A_74 : vector<16xi1>, vector<16xi32>
        %add3A_75 = arith.addi %broadcast_in_dim3A_53, %select_n3A : vector<16xi32>
        %get3A_76 = arith.constant 0 : i32
        %get3A_77 = arith.constant 1 : i32
        %get3A_78 = arith.index_cast %get3A_76 : i32 to index
        %get3A_79 = arith.index_cast %get3A_77 : i32 to index
        %get3A_80 = arith.index_cast %mul3A_52 : i32 to index
        %get3A_81 = tpu.vector_load %arg9[%get3A_78, %get3A_79, %get3A_80] {strides = array<i32>} : memref<1x64x512xi32, #tpu.memory_space<vmem>>, vector<16xi32>,
        %get3A_82 = arith.constant 0 : i32
        %get3A_83 = arith.constant 1 : i32
        %get3A_84 = arith.index_cast %get3A_82 : i32 to index
        %get3A_85 = arith.index_cast %get3A_83 : i32 to index
        %get3A_86 = arith.index_cast %mul3A_52 : i32 to index
        %get3A_87 = tpu.vector_load %arg10[%get3A_84, %get3A_85, %get3A_86] {strides = array<i32>} : memref<1x64x512xf32, #tpu.memory_space<vmem>>, vector<16xf32>,
        %shift_right_logical3A_88 = arith.constant 3 : i32
        %shift_right_logical3A_89 = vector.broadcast %shift_right_logical3A_88 : i32 to vector<16xi32>
        %shift_right_logical3A_90 = arith.shrui %get3A_81, %shift_right_logical3A_89 : vector<16xi32>
        %gather3A_91 = tpu.vector_load_idx %arg8[%shift_right_logical3A_90] : memref<2048xi32, #tpu.memory_space<vmem>>[vector<16xi32>], vector<16xi32>,
        %gt3A_92 = arith.constant 5.000000e-01 : f32
        %gt3A_93 = vector.broadcast %gt3A_92 : f32 to vector<16xf32>
        %gt3A_94 = arith.cmpf ogt, %get3A_87, %gt3A_93 : vector<16xf32>
        %gt3A_95 = arith.constant 0 : i32
        %gt3A_96 = vector.broadcast %gt3A_95 : i32 to vector<16xi32>
        %gt3A_97 = arith.cmpi sgt, %gather3A_91, %gt3A_96 : vector<16xi32>
        %and3A_98 = arith.andi %gt3A_94, %gt3A_97 : vector<16xi1>
        %jit3A_99 = arith.constant 1 : i32
        %jit3A_100 = arith.constant 0 : i32
        %broadcast_in_dim3A_101 = vector.broadcast %jit3A_99 : i32 to vector<16xi32>
        %broadcast_in_dim3A_102 = vector.broadcast %jit3A_100 : i32 to vector<16xi32>
        %select_n3A_103 = arith.select %and3A_98, %broadcast_in_dim3A_101, %broadcast_in_dim3A_102 : vector<16xi1>, vector<16xi32>
        %add3A_104 = arith.addi %add3A_75, %select_n3A_103 : vector<16xi32>
        %get3A_105 = arith.constant 0 : i32
        %get3A_106 = arith.constant 2 : i32
        %get3A_107 = arith.index_cast %get3A_105 : i32 to index
        %get3A_108 = arith.index_cast %get3A_106 : i32 to index
        %get3A_109 = arith.index_cast %mul3A_52 : i32 to index
        %get3A_110 = tpu.vector_load %arg9[%get3A_107, %get3A_108, %get3A_109] {strides = array<i32>} : memref<1x64x512xi32, #tpu.memory_space<vmem>>, vector<16xi32>,
        %get3A_111 = arith.constant 0 : i32
        %get3A_112 = arith.constant 2 : i32
        %get3A_113 = arith.index_cast %get3A_111 : i32 to index
        %get3A_114 = arith.index_cast %get3A_112 : i32 to index
        %get3A_115 = arith.index_cast %mul3A_52 : i32 to index
        %get3A_116 = tpu.vector_load %arg10[%get3A_113, %get3A_114, %get3A_115] {strides = array<i32>} : memref<1x64x512xf32, #tpu.memory_space<vmem>>, vector<16xf32>,
        %shift_right_logical3A_117 = arith.constant 3 : i32
        %shift_right_logical3A_118 = vector.broadcast %shift_right_logical3A_117 : i32 to vector<16xi32>
        %shift_right_logical3A_119 = arith.shrui %get3A_110, %shift_right_logical3A_118 : vector<16xi32>
        %gather3A_120 = tpu.vector_load_idx %arg8[%shift_right_logical3A_119] : memref<2048xi32, #tpu.memory_space<vmem>>[vector<16xi32>], vector<16xi32>,
        %gt3A_121 = arith.constant 5.000000e-01 : f32
        %gt3A_122 = vector.broadcast %gt3A_121 : f32 to vector<16xf32>
        %gt3A_123 = arith.cmpf ogt, %get3A_116, %gt3A_122 : vector<16xf32>
        %gt3A_124 = arith.constant 0 : i32
        %gt3A_125 = vector.broadcast %gt3A_124 : i32 to vector<16xi32>
        %gt3A_126 = arith.cmpi sgt, %gather3A_120, %gt3A_125 : vector<16xi32>
        %and3A_127 = arith.andi %gt3A_123, %gt3A_126 : vector<16xi1>
        %jit3A_128 = arith.constant 1 : i32
        %jit3A_129 = arith.constant 0 : i32
        %broadcast_in_dim3A_130 = vector.broadcast %jit3A_128 : i32 to vector<16xi32>
        %broadcast_in_dim3A_131 = vector.broadcast %jit3A_129 : i32 to vector<16xi32>
        %select_n3A_132 = arith.select %and3A_127, %broadcast_in_dim3A_130, %broadcast_in_dim3A_131 : vector<16xi1>, vector<16xi32>
        %add3A_133 = arith.addi %add3A_104, %select_n3A_132 : vector<16xi32>
        %get3A_134 = arith.constant 0 : i32
        %get3A_135 = arith.constant 3 : i32
        %get3A_136 = arith.index_cast %get3A_134 : i32 to index
        %get3A_137 = arith.index_cast %get3A_135 : i32 to index
        %get3A_138 = arith.index_cast %mul3A_52 : i32 to index
        %get3A_139 = tpu.vector_load %arg9[%get3A_136, %get3A_137, %get3A_138] {strides = array<i32>} : memref<1x64x512xi32, #tpu.memory_space<vmem>>, vector<16xi32>,
        %get3A_140 = arith.constant 0 : i32
        %get3A_141 = arith.constant 3 : i32
        %get3A_142 = arith.index_cast %get3A_140 : i32 to index
        %get3A_143 = arith.index_cast %get3A_141 : i32 to index
        %get3A_144 = arith.index_cast %mul3A_52 : i32 to index
        %get3A_145 = tpu.vector_load %arg10[%get3A_142, %get3A_143, %get3A_144] {strides = array<i32>} : memref<1x64x512xf32, #tpu.memory_space<vmem>>, vector<16xf32>,
        %shift_right_logical3A_146 = arith.constant 3 : i32
        %shift_right_logical3A_147 = vector.broadcast %shift_right_logical3A_146 : i32 to vector<16xi32>
        %shift_right_logical3A_148 = arith.shrui %get3A_139, %shift_right_logical3A_147 : vector<16xi32>
        %gather3A_149 = tpu.vector_load_idx %arg8[%shift_right_logical3A_148] : memref<2048xi32, #tpu.memory_space<vmem>>[vector<16xi32>], vector<16xi32>,
        %gt3A_150 = arith.constant 5.000000e-01 : f32
        %gt3A_151 = vector.broadcast %gt3A_150 : f32 to vector<16xf32>
        %gt3A_152 = arith.cmpf ogt, %get3A_145, %gt3A_151 : vector<16xf32>
        %gt3A_153 = arith.constant 0 : i32
        %gt3A_154 = vector.broadcast %gt3A_153 : i32 to vector<16xi32>
        %gt3A_155 = arith.cmpi sgt, %gather3A_149, %gt3A_154 : vector<16xi32>
        %and3A_156 = arith.andi %gt3A_152, %gt3A_155 : vector<16xi1>
        %jit3A_157 = arith.constant 1 : i32
        %jit3A_158 = arith.constant 0 : i32
        %broadcast_in_dim3A_159 = vector.broadcast %jit3A_157 : i32 to vector<16xi32>
        %broadcast_in_dim3A_160 = vector.broadcast %jit3A_158 : i32 to vector<16xi32>
        %select_n3A_161 = arith.select %and3A_156, %broadcast_in_dim3A_159, %broadcast_in_dim3A_160 : vector<16xi1>, vector<16xi32>
        %add3A_162 = arith.addi %add3A_133, %select_n3A_161 : vector<16xi32>
        %get3A_163 = arith.constant 0 : i32
        %get3A_164 = arith.constant 4 : i32
        %get3A_165 = arith.index_cast %get3A_163 : i32 to index
        %get3A_166 = arith.index_cast %get3A_164 : i32 to index
        %get3A_167 = arith.index_cast %mul3A_52 : i32 to index
        %get3A_168 = tpu.vector_load %arg9[%get3A_165, %get3A_166, %get3A_167] {strides = array<i32>} : memref<1x64x512xi32, #tpu.memory_space<vmem>>, vector<16xi32>,
        %get3A_169 = arith.constant 0 : i32
        %get3A_170 = arith.constant 4 : i32
        %get3A_171 = arith.index_cast %get3A_169 : i32 to index
        %get3A_172 = arith.index_cast %get3A_170 : i32 to index
        %get3A_173 = arith.index_cast %mul3A_52 : i32 to index
        %get3A_174 = tpu.vector_load %arg10[%get3A_171, %get3A_172, %get3A_173] {strides = array<i32>} : memref<1x64x512xf32, #tpu.memory_space<vmem>>, vector<16xf32>,
        %shift_right_logical3A_175 = arith.constant 3 : i32
        %shift_right_logical3A_176 = vector.broadcast %shift_right_logical3A_175 : i32 to vector<16xi32>
        %shift_right_logical3A_177 = arith.shrui %get3A_168, %shift_right_logical3A_176 : vector<16xi32>
        %gather3A_178 = tpu.vector_load_idx %arg8[%shift_right_logical3A_177] : memref<2048xi32, #tpu.memory_space<vmem>>[vector<16xi32>], vector<16xi32>,
        %gt3A_179 = arith.constant 5.000000e-01 : f32
        %gt3A_180 = vector.broadcast %gt3A_179 : f32 to vector<16xf32>
        %gt3A_181 = arith.cmpf ogt, %get3A_174, %gt3A_180 : vector<16xf32>
        %gt3A_182 = arith.constant 0 : i32
        %gt3A_183 = vector.broadcast %gt3A_182 : i32 to vector<16xi32>
        %gt3A_184 = arith.cmpi sgt, %gather3A_178, %gt3A_183 : vector<16xi32>
        %and3A_185 = arith.andi %gt3A_181, %gt3A_184 : vector<16xi1>
        %jit3A_186 = arith.constant 1 : i32
        %jit3A_187 = arith.constant 0 : i32
        %broadcast_in_dim3A_188 = vector.broadcast %jit3A_186 : i32 to vector<16xi32>
        %broadcast_in_dim3A_189 = vector.broadcast %jit3A_187 : i32 to vector<16xi32>
        %select_n3A_190 = arith.select %and3A_185, %broadcast_in_dim3A_188, %broadcast_in_dim3A_189 : vector<16xi1>, vector<16xi32>
        %add3A_191 = arith.addi %add3A_162, %select_n3A_190 : vector<16xi32>
        %get3A_192 = arith.constant 0 : i32
        %get3A_193 = arith.constant 5 : i32
        %get3A_194 = arith.index_cast %get3A_192 : i32 to index
        %get3A_195 = arith.index_cast %get3A_193 : i32 to index
        %get3A_196 = arith.index_cast %mul3A_52 : i32 to index
        %get3A_197 = tpu.vector_load %arg9[%get3A_194, %get3A_195, %get3A_196] {strides = array<i32>} : memref<1x64x512xi32, #tpu.memory_space<vmem>>, vector<16xi32>,
        %get3A_198 = arith.constant 0 : i32
        %get3A_199 = arith.constant 5 : i32
        %get3A_200 = arith.index_cast %get3A_198 : i32 to index
        %get3A_201 = arith.index_cast %get3A_199 : i32 to index
        %get3A_202 = arith.index_cast %mul3A_52 : i32 to index
        %get3A_203 = tpu.vector_load %arg10[%get3A_200, %get3A_201, %get3A_202] {strides = array<i32>} : memref<1x64x512xf32, #tpu.memory_space<vmem>>, vector<16xf32>,
        %shift_right_logical3A_204 = arith.constant 3 : i32
        %shift_right_logical3A_205 = vector.broadcast %shift_right_logical3A_204 : i32 to vector<16xi32>
        %shift_right_logical3A_206 = arith.shrui %get3A_197, %shift_right_logical3A_205 : vector<16xi32>
        %gather3A_207 = tpu.vector_load_idx %arg8[%shift_right_logical3A_206] : memref<2048xi32, #tpu.memory_space<vmem>>[vector<16xi32>], vector<16xi32>,
        %gt3A_208 = arith.constant 5.000000e-01 : f32
        %gt3A_209 = vector.broadcast %gt3A_208 : f32 to vector<16xf32>
        %gt3A_210 = arith.cmpf ogt, %get3A_203, %gt3A_209 : vector<16xf32>
        %gt3A_211 = arith.constant 0 : i32
        %gt3A_212 = vector.broadcast %gt3A_211 : i32 to vector<16xi32>
        %gt3A_213 = arith.cmpi sgt, %gather3A_207, %gt3A_212 : vector<16xi32>
        %and3A_214 = arith.andi %gt3A_210, %gt3A_213 : vector<16xi1>
        %jit3A_215 = arith.constant 1 : i32
        %jit3A_216 = arith.constant 0 : i32
        %broadcast_in_dim3A_217 = vector.broadcast %jit3A_215 : i32 to vector<16xi32>
        %broadcast_in_dim3A_218 = vector.broadcast %jit3A_216 : i32 to vector<16xi32>
        %select_n3A_219 = arith.select %and3A_214, %broadcast_in_dim3A_217, %broadcast_in_dim3A_218 : vector<16xi1>, vector<16xi32>
        %add3A_220 = arith.addi %add3A_191, %select_n3A_219 : vector<16xi32>
        %get3A_221 = arith.constant 0 : i32
        %get3A_222 = arith.constant 6 : i32
        %get3A_223 = arith.index_cast %get3A_221 : i32 to index
        %get3A_224 = arith.index_cast %get3A_222 : i32 to index
        %get3A_225 = arith.index_cast %mul3A_52 : i32 to index
        %get3A_226 = tpu.vector_load %arg9[%get3A_223, %get3A_224, %get3A_225] {strides = array<i32>} : memref<1x64x512xi32, #tpu.memory_space<vmem>>, vector<16xi32>,
        %get3A_227 = arith.constant 0 : i32
        %get3A_228 = arith.constant 6 : i32
        %get3A_229 = arith.index_cast %get3A_227 : i32 to index
        %get3A_230 = arith.index_cast %get3A_228 : i32 to index
        %get3A_231 = arith.index_cast %mul3A_52 : i32 to index
        %get3A_232 = tpu.vector_load %arg10[%get3A_229, %get3A_230, %get3A_231] {strides = array<i32>} : memref<1x64x512xf32, #tpu.memory_space<vmem>>, vector<16xf32>,
        %shift_right_logical3A_233 = arith.constant 3 : i32
        %shift_right_logical3A_234 = vector.broadcast %shift_right_logical3A_233 : i32 to vector<16xi32>
        %shift_right_logical3A_235 = arith.shrui %get3A_226, %shift_right_logical3A_234 : vector<16xi32>
        %gather3A_236 = tpu.vector_load_idx %arg8[%shift_right_logical3A_235] : memref<2048xi32, #tpu.memory_space<vmem>>[vector<16xi32>], vector<16xi32>,
        %gt3A_237 = arith.constant 5.000000e-01 : f32
        %gt3A_238 = vector.broadcast %gt3A_237 : f32 to vector<16xf32>
        %gt3A_239 = arith.cmpf ogt, %get3A_232, %gt3A_238 : vector<16xf32>
        %gt3A_240 = arith.constant 0 : i32
        %gt3A_241 = vector.broadcast %gt3A_240 : i32 to vector<16xi32>
        %gt3A_242 = arith.cmpi sgt, %gather3A_236, %gt3A_241 : vector<16xi32>
        %and3A_243 = arith.andi %gt3A_239, %gt3A_242 : vector<16xi1>
        %jit3A_244 = arith.constant 1 : i32
        %jit3A_245 = arith.constant 0 : i32
        %broadcast_in_dim3A_246 = vector.broadcast %jit3A_244 : i32 to vector<16xi32>
        %broadcast_in_dim3A_247 = vector.broadcast %jit3A_245 : i32 to vector<16xi32>
        %select_n3A_248 = arith.select %and3A_243, %broadcast_in_dim3A_246, %broadcast_in_dim3A_247 : vector<16xi1>, vector<16xi32>
        %add3A_249 = arith.addi %add3A_220, %select_n3A_248 : vector<16xi32>
        %get3A_250 = arith.constant 0 : i32
        %get3A_251 = arith.constant 7 : i32
        %get3A_252 = arith.index_cast %get3A_250 : i32 to index
        %get3A_253 = arith.index_cast %get3A_251 : i32 to index
        %get3A_254 = arith.index_cast %mul3A_52 : i32 to index
        %get3A_255 = tpu.vector_load %arg9[%get3A_252, %get3A_253, %get3A_254] {strides = array<i32>} : memref<1x64x512xi32, #tpu.memory_space<vmem>>, vector<16xi32>,
        %get3A_256 = arith.constant 0 : i32
        %get3A_257 = arith.constant 7 : i32
        %get3A_258 = arith.index_cast %get3A_256 : i32 to index
        %get3A_259 = arith.index_cast %get3A_257 : i32 to index
        %get3A_260 = arith.index_cast %mul3A_52 : i32 to index
        %get3A_261 = tpu.vector_load %arg10[%get3A_258, %get3A_259, %get3A_260] {strides = array<i32>} : memref<1x64x512xf32, #tpu.memory_space<vmem>>, vector<16xf32>,
        %shift_right_logical3A_262 = arith.constant 3 : i32
        %shift_right_logical3A_263 = vector.broadcast %shift_right_logical3A_262 : i32 to vector<16xi32>
        %shift_right_logical3A_264 = arith.shrui %get3A_255, %shift_right_logical3A_263 : vector<16xi32>
        %gather3A_265 = tpu.vector_load_idx %arg8[%shift_right_logical3A_264] : memref<2048xi32, #tpu.memory_space<vmem>>[vector<16xi32>], vector<16xi32>,
        %gt3A_266 = arith.constant 5.000000e-01 : f32
        %gt3A_267 = vector.broadcast %gt3A_266 : f32 to vector<16xf32>
        %gt3A_268 = arith.cmpf ogt, %get3A_261, %gt3A_267 : vector<16xf32>
        %gt3A_269 = arith.constant 0 : i32
        %gt3A_270 = vector.broadcast %gt3A_269 : i32 to vector<16xi32>
        %gt3A_271 = arith.cmpi sgt, %gather3A_265, %gt3A_270 : vector<16xi32>
        %and3A_272 = arith.andi %gt3A_268, %gt3A_271 : vector<16xi1>
        %jit3A_273 = arith.constant 1 : i32
        %jit3A_274 = arith.constant 0 : i32
        %broadcast_in_dim3A_275 = vector.broadcast %jit3A_273 : i32 to vector<16xi32>
        %broadcast_in_dim3A_276 = vector.broadcast %jit3A_274 : i32 to vector<16xi32>
        %select_n3A_277 = arith.select %and3A_272, %broadcast_in_dim3A_275, %broadcast_in_dim3A_276 : vector<16xi1>, vector<16xi32>
        %add3A_278 = arith.addi %add3A_249, %select_n3A_277 : vector<16xi32>
        %get3A_279 = arith.constant 0 : i32
        %get3A_280 = arith.constant 8 : i32
        %get3A_281 = arith.index_cast %get3A_279 : i32 to index
        %get3A_282 = arith.index_cast %get3A_280 : i32 to index
        %get3A_283 = arith.index_cast %mul3A_52 : i32 to index
        %get3A_284 = tpu.vector_load %arg9[%get3A_281, %get3A_282, %get3A_283] {strides = array<i32>} : memref<1x64x512xi32, #tpu.memory_space<vmem>>, vector<16xi32>,
        %get3A_285 = arith.constant 0 : i32
        %get3A_286 = arith.constant 8 : i32
        %get3A_287 = arith.index_cast %get3A_285 : i32 to index
        %get3A_288 = arith.index_cast %get3A_286 : i32 to index
        %get3A_289 = arith.index_cast %mul3A_52 : i32 to index
        %get3A_290 = tpu.vector_load %arg10[%get3A_287, %get3A_288, %get3A_289] {strides = array<i32>} : memref<1x64x512xf32, #tpu.memory_space<vmem>>, vector<16xf32>,
        %shift_right_logical3A_291 = arith.constant 3 : i32
        %shift_right_logical3A_292 = vector.broadcast %shift_right_logical3A_291 : i32 to vector<16xi32>
        %shift_right_logical3A_293 = arith.shrui %get3A_284, %shift_right_logical3A_292 : vector<16xi32>
        %gather3A_294 = tpu.vector_load_idx %arg8[%shift_right_logical3A_293] : memref<2048xi32, #tpu.memory_space<vmem>>[vector<16xi32>], vector<16xi32>,
        %gt3A_295 = arith.constant 5.000000e-01 : f32
        %gt3A_296 = vector.broadcast %gt3A_295 : f32 to vector<16xf32>
        %gt3A_297 = arith.cmpf ogt, %get3A_290, %gt3A_296 : vector<16xf32>
        %gt3A_298 = arith.constant 0 : i32
        %gt3A_299 = vector.broadcast %gt3A_298 : i32 to vector<16xi32>
        %gt3A_300 = arith.cmpi sgt, %gather3A_294, %gt3A_299 : vector<16xi32>
        %and3A_301 = arith.andi %gt3A_297, %gt3A_300 : vector<16xi1>
        %jit3A_302 = arith.constant 1 : i32
        %jit3A_303 = arith.constant 0 : i32
        %broadcast_in_dim3A_304 = vector.broadcast %jit3A_302 : i32 to vector<16xi32>
        %broadcast_in_dim3A_305 = vector.broadcast %jit3A_303 : i32 to vector<16xi32>
        %select_n3A_306 = arith.select %and3A_301, %broadcast_in_dim3A_304, %broadcast_in_dim3A_305 : vector<16xi1>, vector<16xi32>
        %add3A_307 = arith.addi %add3A_278, %select_n3A_306 : vector<16xi32>
        %get3A_308 = arith.constant 0 : i32
        %get3A_309 = arith.constant 9 : i32
        %get3A_310 = arith.index_cast %get3A_308 : i32 to index
        %get3A_311 = arith.index_cast %get3A_309 : i32 to index
        %get3A_312 = arith.index_cast %mul3A_52 : i32 to index
        %get3A_313 = tpu.vector_load %arg9[%get3A_310, %get3A_311, %get3A_312] {strides = array<i32>} : memref<1x64x512xi32, #tpu.memory_space<vmem>>, vector<16xi32>,
        %get3A_314 = arith.constant 0 : i32
        %get3A_315 = arith.constant 9 : i32
        %get3A_316 = arith.index_cast %get3A_314 : i32 to index
        %get3A_317 = arith.index_cast %get3A_315 : i32 to index
        %get3A_318 = arith.index_cast %mul3A_52 : i32 to index
        %get3A_319 = tpu.vector_load %arg10[%get3A_316, %get3A_317, %get3A_318] {strides = array<i32>} : memref<1x64x512xf32, #tpu.memory_space<vmem>>, vector<16xf32>,
        %shift_right_logical3A_320 = arith.constant 3 : i32
        %shift_right_logical3A_321 = vector.broadcast %shift_right_logical3A_320 : i32 to vector<16xi32>
        %shift_right_logical3A_322 = arith.shrui %get3A_313, %shift_right_logical3A_321 : vector<16xi32>
        %gather3A_323 = tpu.vector_load_idx %arg8[%shift_right_logical3A_322] : memref<2048xi32, #tpu.memory_space<vmem>>[vector<16xi32>], vector<16xi32>,
        %gt3A_324 = arith.constant 5.000000e-01 : f32
        %gt3A_325 = vector.broadcast %gt3A_324 : f32 to vector<16xf32>
        %gt3A_326 = arith.cmpf ogt, %get3A_319, %gt3A_325 : vector<16xf32>
        %gt3A_327 = arith.constant 0 : i32
        %gt3A_328 = vector.broadcast %gt3A_327 : i32 to vector<16xi32>
        %gt3A_329 = arith.cmpi sgt, %gather3A_323, %gt3A_328 : vector<16xi32>
        %and3A_330 = arith.andi %gt3A_326, %gt3A_329 : vector<16xi1>
        %jit3A_331 = arith.constant 1 : i32
        %jit3A_332 = arith.constant 0 : i32
        %broadcast_in_dim3A_333 = vector.broadcast %jit3A_331 : i32 to vector<16xi32>
        %broadcast_in_dim3A_334 = vector.broadcast %jit3A_332 : i32 to vector<16xi32>
        %select_n3A_335 = arith.select %and3A_330, %broadcast_in_dim3A_333, %broadcast_in_dim3A_334 : vector<16xi1>, vector<16xi32>
        %add3A_336 = arith.addi %add3A_307, %select_n3A_335 : vector<16xi32>
        %get3A_337 = arith.constant 0 : i32
        %get3A_338 = arith.constant 10 : i32
        %get3A_339 = arith.index_cast %get3A_337 : i32 to index
        %get3A_340 = arith.index_cast %get3A_338 : i32 to index
        %get3A_341 = arith.index_cast %mul3A_52 : i32 to index
        %get3A_342 = tpu.vector_load %arg9[%get3A_339, %get3A_340, %get3A_341] {strides = array<i32>} : memref<1x64x512xi32, #tpu.memory_space<vmem>>, vector<16xi32>,
        %get3A_343 = arith.constant 0 : i32
        %get3A_344 = arith.constant 10 : i32
        %get3A_345 = arith.index_cast %get3A_343 : i32 to index
        %get3A_346 = arith.index_cast %get3A_344 : i32 to index
        %get3A_347 = arith.index_cast %mul3A_52 : i32 to index
        %get3A_348 = tpu.vector_load %arg10[%get3A_345, %get3A_346, %get3A_347] {strides = array<i32>} : memref<1x64x512xf32, #tpu.memory_space<vmem>>, vector<16xf32>,
        %shift_right_logical3A_349 = arith.constant 3 : i32
        %shift_right_logical3A_350 = vector.broadcast %shift_right_logical3A_349 : i32 to vector<16xi32>
        %shift_right_logical3A_351 = arith.shrui %get3A_342, %shift_right_logical3A_350 : vector<16xi32>
        %gather3A_352 = tpu.vector_load_idx %arg8[%shift_right_logical3A_351] : memref<2048xi32, #tpu.memory_space<vmem>>[vector<16xi32>], vector<16xi32>,
        %gt3A_353 = arith.constant 5.000000e-01 : f32
        %gt3A_354 = vector.broadcast %gt3A_353 : f32 to vector<16xf32>
        %gt3A_355 = arith.cmpf ogt, %get3A_348, %gt3A_354 : vector<16xf32>
        %gt3A_356 = arith.constant 0 : i32
        %gt3A_357 = vector.broadcast %gt3A_356 : i32 to vector<16xi32>
        %gt3A_358 = arith.cmpi sgt, %gather3A_352, %gt3A_357 : vector<16xi32>
        %and3A_359 = arith.andi %gt3A_355, %gt3A_358 : vector<16xi1>
        %jit3A_360 = arith.constant 1 : i32
        %jit3A_361 = arith.constant 0 : i32
        %broadcast_in_dim3A_362 = vector.broadcast %jit3A_360 : i32 to vector<16xi32>
        %broadcast_in_dim3A_363 = vector.broadcast %jit3A_361 : i32 to vector<16xi32>
        %select_n3A_364 = arith.select %and3A_359, %broadcast_in_dim3A_362, %broadcast_in_dim3A_363 : vector<16xi1>, vector<16xi32>
        %add3A_365 = arith.addi %add3A_336, %select_n3A_364 : vector<16xi32>
        %get3A_366 = arith.constant 0 : i32
        %get3A_367 = arith.constant 11 : i32
        %get3A_368 = arith.index_cast %get3A_366 : i32 to index
        %get3A_369 = arith.index_cast %get3A_367 : i32 to index
        %get3A_370 = arith.index_cast %mul3A_52 : i32 to index
        %get3A_371 = tpu.vector_load %arg9[%get3A_368, %get3A_369, %get3A_370] {strides = array<i32>} : memref<1x64x512xi32, #tpu.memory_space<vmem>>, vector<16xi32>,
        %get3A_372 = arith.constant 0 : i32
        %get3A_373 = arith.constant 11 : i32
        %get3A_374 = arith.index_cast %get3A_372 : i32 to index
        %get3A_375 = arith.index_cast %get3A_373 : i32 to index
        %get3A_376 = arith.index_cast %mul3A_52 : i32 to index
        %get3A_377 = tpu.vector_load %arg10[%get3A_374, %get3A_375, %get3A_376] {strides = array<i32>} : memref<1x64x512xf32, #tpu.memory_space<vmem>>, vector<16xf32>,
        %shift_right_logical3A_378 = arith.constant 3 : i32
        %shift_right_logical3A_379 = vector.broadcast %shift_right_logical3A_378 : i32 to vector<16xi32>
        %shift_right_logical3A_380 = arith.shrui %get3A_371, %shift_right_logical3A_379 : vector<16xi32>
        %gather3A_381 = tpu.vector_load_idx %arg8[%shift_right_logical3A_380] : memref<2048xi32, #tpu.memory_space<vmem>>[vector<16xi32>], vector<16xi32>,
        %gt3A_382 = arith.constant 5.000000e-01 : f32
        %gt3A_383 = vector.broadcast %gt3A_382 : f32 to vector<16xf32>
        %gt3A_384 = arith.cmpf ogt, %get3A_377, %gt3A_383 : vector<16xf32>
        %gt3A_385 = arith.constant 0 : i32
        %gt3A_386 = vector.broadcast %gt3A_385 : i32 to vector<16xi32>
        %gt3A_387 = arith.cmpi sgt, %gather3A_381, %gt3A_386 : vector<16xi32>
        %and3A_388 = arith.andi %gt3A_384, %gt3A_387 : vector<16xi1>
        %jit3A_389 = arith.constant 1 : i32
        %jit3A_390 = arith.constant 0 : i32
        %broadcast_in_dim3A_391 = vector.broadcast %jit3A_389 : i32 to vector<16xi32>
        %broadcast_in_dim3A_392 = vector.broadcast %jit3A_390 : i32 to vector<16xi32>
        %select_n3A_393 = arith.select %and3A_388, %broadcast_in_dim3A_391, %broadcast_in_dim3A_392 : vector<16xi1>, vector<16xi32>
        %add3A_394 = arith.addi %add3A_365, %select_n3A_393 : vector<16xi32>
        %get3A_395 = arith.constant 0 : i32
        %get3A_396 = arith.constant 12 : i32
        %get3A_397 = arith.index_cast %get3A_395 : i32 to index
        %get3A_398 = arith.index_cast %get3A_396 : i32 to index
        %get3A_399 = arith.index_cast %mul3A_52 : i32 to index
        %get3A_400 = tpu.vector_load %arg9[%get3A_397, %get3A_398, %get3A_399] {strides = array<i32>} : memref<1x64x512xi32, #tpu.memory_space<vmem>>, vector<16xi32>,
        %get3A_401 = arith.constant 0 : i32
        %get3A_402 = arith.constant 12 : i32
        %get3A_403 = arith.index_cast %get3A_401 : i32 to index
        %get3A_404 = arith.index_cast %get3A_402 : i32 to index
        %get3A_405 = arith.index_cast %mul3A_52 : i32 to index
        %get3A_406 = tpu.vector_load %arg10[%get3A_403, %get3A_404, %get3A_405] {strides = array<i32>} : memref<1x64x512xf32, #tpu.memory_space<vmem>>, vector<16xf32>,
        %shift_right_logical3A_407 = arith.constant 3 : i32
        %shift_right_logical3A_408 = vector.broadcast %shift_right_logical3A_407 : i32 to vector<16xi32>
        %shift_right_logical3A_409 = arith.shrui %get3A_400, %shift_right_logical3A_408 : vector<16xi32>
        %gather3A_410 = tpu.vector_load_idx %arg8[%shift_right_logical3A_409] : memref<2048xi32, #tpu.memory_space<vmem>>[vector<16xi32>], vector<16xi32>,
        %gt3A_411 = arith.constant 5.000000e-01 : f32
        %gt3A_412 = vector.broadcast %gt3A_411 : f32 to vector<16xf32>
        %gt3A_413 = arith.cmpf ogt, %get3A_406, %gt3A_412 : vector<16xf32>
        %gt3A_414 = arith.constant 0 : i32
        %gt3A_415 = vector.broadcast %gt3A_414 : i32 to vector<16xi32>
        %gt3A_416 = arith.cmpi sgt, %gather3A_410, %gt3A_415 : vector<16xi32>
        %and3A_417 = arith.andi %gt3A_413, %gt3A_416 : vector<16xi1>
        %jit3A_418 = arith.constant 1 : i32
        %jit3A_419 = arith.constant 0 : i32
        %broadcast_in_dim3A_420 = vector.broadcast %jit3A_418 : i32 to vector<16xi32>
        %broadcast_in_dim3A_421 = vector.broadcast %jit3A_419 : i32 to vector<16xi32>
        %select_n3A_422 = arith.select %and3A_417, %broadcast_in_dim3A_420, %broadcast_in_dim3A_421 : vector<16xi1>, vector<16xi32>
        %add3A_423 = arith.addi %add3A_394, %select_n3A_422 : vector<16xi32>
        %get3A_424 = arith.constant 0 : i32
        %get3A_425 = arith.constant 13 : i32
        %get3A_426 = arith.index_cast %get3A_424 : i32 to index
        %get3A_427 = arith.index_cast %get3A_425 : i32 to index
        %get3A_428 = arith.index_cast %mul3A_52 : i32 to index
        %get3A_429 = tpu.vector_load %arg9[%get3A_426, %get3A_427, %get3A_428] {strides = array<i32>} : memref<1x64x512xi32, #tpu.memory_space<vmem>>, vector<16xi32>,
        %get3A_430 = arith.constant 0 : i32
        %get3A_431 = arith.constant 13 : i32
        %get3A_432 = arith.index_cast %get3A_430 : i32 to index
        %get3A_433 = arith.index_cast %get3A_431 : i32 to index
        %get3A_434 = arith.index_cast %mul3A_52 : i32 to index
        %get3A_435 = tpu.vector_load %arg10[%get3A_432, %get3A_433, %get3A_434] {strides = array<i32>} : memref<1x64x512xf32, #tpu.memory_space<vmem>>, vector<16xf32>,
        %shift_right_logical3A_436 = arith.constant 3 : i32
        %shift_right_logical3A_437 = vector.broadcast %shift_right_logical3A_436 : i32 to vector<16xi32>
        %shift_right_logical3A_438 = arith.shrui %get3A_429, %shift_right_logical3A_437 : vector<16xi32>
        %gather3A_439 = tpu.vector_load_idx %arg8[%shift_right_logical3A_438] : memref<2048xi32, #tpu.memory_space<vmem>>[vector<16xi32>], vector<16xi32>,
        %gt3A_440 = arith.constant 5.000000e-01 : f32
        %gt3A_441 = vector.broadcast %gt3A_440 : f32 to vector<16xf32>
        %gt3A_442 = arith.cmpf ogt, %get3A_435, %gt3A_441 : vector<16xf32>
        %gt3A_443 = arith.constant 0 : i32
        %gt3A_444 = vector.broadcast %gt3A_443 : i32 to vector<16xi32>
        %gt3A_445 = arith.cmpi sgt, %gather3A_439, %gt3A_444 : vector<16xi32>
        %and3A_446 = arith.andi %gt3A_442, %gt3A_445 : vector<16xi1>
        %jit3A_447 = arith.constant 1 : i32
        %jit3A_448 = arith.constant 0 : i32
        %broadcast_in_dim3A_449 = vector.broadcast %jit3A_447 : i32 to vector<16xi32>
        %broadcast_in_dim3A_450 = vector.broadcast %jit3A_448 : i32 to vector<16xi32>
        %select_n3A_451 = arith.select %and3A_446, %broadcast_in_dim3A_449, %broadcast_in_dim3A_450 : vector<16xi1>, vector<16xi32>
        %add3A_452 = arith.addi %add3A_423, %select_n3A_451 : vector<16xi32>
        %get3A_453 = arith.constant 0 : i32
        %get3A_454 = arith.constant 14 : i32
        %get3A_455 = arith.index_cast %get3A_453 : i32 to index
        %get3A_456 = arith.index_cast %get3A_454 : i32 to index
        %get3A_457 = arith.index_cast %mul3A_52 : i32 to index
        %get3A_458 = tpu.vector_load %arg9[%get3A_455, %get3A_456, %get3A_457] {strides = array<i32>} : memref<1x64x512xi32, #tpu.memory_space<vmem>>, vector<16xi32>,
        %get3A_459 = arith.constant 0 : i32
        %get3A_460 = arith.constant 14 : i32
        %get3A_461 = arith.index_cast %get3A_459 : i32 to index
        %get3A_462 = arith.index_cast %get3A_460 : i32 to index
        %get3A_463 = arith.index_cast %mul3A_52 : i32 to index
        %get3A_464 = tpu.vector_load %arg10[%get3A_461, %get3A_462, %get3A_463] {strides = array<i32>} : memref<1x64x512xf32, #tpu.memory_space<vmem>>, vector<16xf32>,
        %shift_right_logical3A_465 = arith.constant 3 : i32
        %shift_right_logical3A_466 = vector.broadcast %shift_right_logical3A_465 : i32 to vector<16xi32>
        %shift_right_logical3A_467 = arith.shrui %get3A_458, %shift_right_logical3A_466 : vector<16xi32>
        %gather3A_468 = tpu.vector_load_idx %arg8[%shift_right_logical3A_467] : memref<2048xi32, #tpu.memory_space<vmem>>[vector<16xi32>], vector<16xi32>,
        %gt3A_469 = arith.constant 5.000000e-01 : f32
        %gt3A_470 = vector.broadcast %gt3A_469 : f32 to vector<16xf32>
        %gt3A_471 = arith.cmpf ogt, %get3A_464, %gt3A_470 : vector<16xf32>
        %gt3A_472 = arith.constant 0 : i32
        %gt3A_473 = vector.broadcast %gt3A_472 : i32 to vector<16xi32>
        %gt3A_474 = arith.cmpi sgt, %gather3A_468, %gt3A_473 : vector<16xi32>
        %and3A_475 = arith.andi %gt3A_471, %gt3A_474 : vector<16xi1>
        %jit3A_476 = arith.constant 1 : i32
        %jit3A_477 = arith.constant 0 : i32
        %broadcast_in_dim3A_478 = vector.broadcast %jit3A_476 : i32 to vector<16xi32>
        %broadcast_in_dim3A_479 = vector.broadcast %jit3A_477 : i32 to vector<16xi32>
        %select_n3A_480 = arith.select %and3A_475, %broadcast_in_dim3A_478, %broadcast_in_dim3A_479 : vector<16xi1>, vector<16xi32>
        %add3A_481 = arith.addi %add3A_452, %select_n3A_480 : vector<16xi32>
        %get3A_482 = arith.constant 0 : i32
        %get3A_483 = arith.constant 15 : i32
        %get3A_484 = arith.index_cast %get3A_482 : i32 to index
        %get3A_485 = arith.index_cast %get3A_483 : i32 to index
        %get3A_486 = arith.index_cast %mul3A_52 : i32 to index
        %get3A_487 = tpu.vector_load %arg9[%get3A_484, %get3A_485, %get3A_486] {strides = array<i32>} : memref<1x64x512xi32, #tpu.memory_space<vmem>>, vector<16xi32>,
        %get3A_488 = arith.constant 0 : i32
        %get3A_489 = arith.constant 15 : i32
        %get3A_490 = arith.index_cast %get3A_488 : i32 to index
        %get3A_491 = arith.index_cast %get3A_489 : i32 to index
        %get3A_492 = arith.index_cast %mul3A_52 : i32 to index
        %get3A_493 = tpu.vector_load %arg10[%get3A_490, %get3A_491, %get3A_492] {strides = array<i32>} : memref<1x64x512xf32, #tpu.memory_space<vmem>>, vector<16xf32>,
        %shift_right_logical3A_494 = arith.constant 3 : i32
        %shift_right_logical3A_495 = vector.broadcast %shift_right_logical3A_494 : i32 to vector<16xi32>
        %shift_right_logical3A_496 = arith.shrui %get3A_487, %shift_right_logical3A_495 : vector<16xi32>
        %gather3A_497 = tpu.vector_load_idx %arg8[%shift_right_logical3A_496] : memref<2048xi32, #tpu.memory_space<vmem>>[vector<16xi32>], vector<16xi32>,
        %gt3A_498 = arith.constant 5.000000e-01 : f32
        %gt3A_499 = vector.broadcast %gt3A_498 : f32 to vector<16xf32>
        %gt3A_500 = arith.cmpf ogt, %get3A_493, %gt3A_499 : vector<16xf32>
        %gt3A_501 = arith.constant 0 : i32
        %gt3A_502 = vector.broadcast %gt3A_501 : i32 to vector<16xi32>
        %gt3A_503 = arith.cmpi sgt, %gather3A_497, %gt3A_502 : vector<16xi32>
        %and3A_504 = arith.andi %gt3A_500, %gt3A_503 : vector<16xi1>
        %jit3A_505 = arith.constant 1 : i32
        %jit3A_506 = arith.constant 0 : i32
        %broadcast_in_dim3A_507 = vector.broadcast %jit3A_505 : i32 to vector<16xi32>
        %broadcast_in_dim3A_508 = vector.broadcast %jit3A_506 : i32 to vector<16xi32>
        %select_n3A_509 = arith.select %and3A_504, %broadcast_in_dim3A_507, %broadcast_in_dim3A_508 : vector<16xi1>, vector<16xi32>
        %add3A_510 = arith.addi %add3A_481, %select_n3A_509 : vector<16xi32>
        %get3A_511 = arith.constant 0 : i32
        %get3A_512 = arith.constant 16 : i32
        %get3A_513 = arith.index_cast %get3A_511 : i32 to index
        %get3A_514 = arith.index_cast %get3A_512 : i32 to index
        %get3A_515 = arith.index_cast %mul3A_52 : i32 to index
        %get3A_516 = tpu.vector_load %arg9[%get3A_513, %get3A_514, %get3A_515] {strides = array<i32>} : memref<1x64x512xi32, #tpu.memory_space<vmem>>, vector<16xi32>,
        %get3A_517 = arith.constant 0 : i32
        %get3A_518 = arith.constant 16 : i32
        %get3A_519 = arith.index_cast %get3A_517 : i32 to index
        %get3A_520 = arith.index_cast %get3A_518 : i32 to index
        %get3A_521 = arith.index_cast %mul3A_52 : i32 to index
        %get3A_522 = tpu.vector_load %arg10[%get3A_519, %get3A_520, %get3A_521] {strides = array<i32>} : memref<1x64x512xf32, #tpu.memory_space<vmem>>, vector<16xf32>,
        %shift_right_logical3A_523 = arith.constant 3 : i32
        %shift_right_logical3A_524 = vector.broadcast %shift_right_logical3A_523 : i32 to vector<16xi32>
        %shift_right_logical3A_525 = arith.shrui %get3A_516, %shift_right_logical3A_524 : vector<16xi32>
        %gather3A_526 = tpu.vector_load_idx %arg8[%shift_right_logical3A_525] : memref<2048xi32, #tpu.memory_space<vmem>>[vector<16xi32>], vector<16xi32>,
        %gt3A_527 = arith.constant 5.000000e-01 : f32
        %gt3A_528 = vector.broadcast %gt3A_527 : f32 to vector<16xf32>
        %gt3A_529 = arith.cmpf ogt, %get3A_522, %gt3A_528 : vector<16xf32>
        %gt3A_530 = arith.constant 0 : i32
        %gt3A_531 = vector.broadcast %gt3A_530 : i32 to vector<16xi32>
        %gt3A_532 = arith.cmpi sgt, %gather3A_526, %gt3A_531 : vector<16xi32>
        %and3A_533 = arith.andi %gt3A_529, %gt3A_532 : vector<16xi1>
        %jit3A_534 = arith.constant 1 : i32
        %jit3A_535 = arith.constant 0 : i32
        %broadcast_in_dim3A_536 = vector.broadcast %jit3A_534 : i32 to vector<16xi32>
        %broadcast_in_dim3A_537 = vector.broadcast %jit3A_535 : i32 to vector<16xi32>
        %select_n3A_538 = arith.select %and3A_533, %broadcast_in_dim3A_536, %broadcast_in_dim3A_537 : vector<16xi1>, vector<16xi32>
        %add3A_539 = arith.addi %add3A_510, %select_n3A_538 : vector<16xi32>
        %get3A_540 = arith.constant 0 : i32
        %get3A_541 = arith.constant 17 : i32
        %get3A_542 = arith.index_cast %get3A_540 : i32 to index
        %get3A_543 = arith.index_cast %get3A_541 : i32 to index
        %get3A_544 = arith.index_cast %mul3A_52 : i32 to index
        %get3A_545 = tpu.vector_load %arg9[%get3A_542, %get3A_543, %get3A_544] {strides = array<i32>} : memref<1x64x512xi32, #tpu.memory_space<vmem>>, vector<16xi32>,
        %get3A_546 = arith.constant 0 : i32
        %get3A_547 = arith.constant 17 : i32
        %get3A_548 = arith.index_cast %get3A_546 : i32 to index
        %get3A_549 = arith.index_cast %get3A_547 : i32 to index
        %get3A_550 = arith.index_cast %mul3A_52 : i32 to index
        %get3A_551 = tpu.vector_load %arg10[%get3A_548, %get3A_549, %get3A_550] {strides = array<i32>} : memref<1x64x512xf32, #tpu.memory_space<vmem>>, vector<16xf32>,
        %shift_right_logical3A_552 = arith.constant 3 : i32
        %shift_right_logical3A_553 = vector.broadcast %shift_right_logical3A_552 : i32 to vector<16xi32>
        %shift_right_logical3A_554 = arith.shrui %get3A_545, %shift_right_logical3A_553 : vector<16xi32>
        %gather3A_555 = tpu.vector_load_idx %arg8[%shift_right_logical3A_554] : memref<2048xi32, #tpu.memory_space<vmem>>[vector<16xi32>], vector<16xi32>,
        %gt3A_556 = arith.constant 5.000000e-01 : f32
        %gt3A_557 = vector.broadcast %gt3A_556 : f32 to vector<16xf32>
        %gt3A_558 = arith.cmpf ogt, %get3A_551, %gt3A_557 : vector<16xf32>
        %gt3A_559 = arith.constant 0 : i32
        %gt3A_560 = vector.broadcast %gt3A_559 : i32 to vector<16xi32>
        %gt3A_561 = arith.cmpi sgt, %gather3A_555, %gt3A_560 : vector<16xi32>
        %and3A_562 = arith.andi %gt3A_558, %gt3A_561 : vector<16xi1>
        %jit3A_563 = arith.constant 1 : i32
        %jit3A_564 = arith.constant 0 : i32
        %broadcast_in_dim3A_565 = vector.broadcast %jit3A_563 : i32 to vector<16xi32>
        %broadcast_in_dim3A_566 = vector.broadcast %jit3A_564 : i32 to vector<16xi32>
        %select_n3A_567 = arith.select %and3A_562, %broadcast_in_dim3A_565, %broadcast_in_dim3A_566 : vector<16xi1>, vector<16xi32>
        %add3A_568 = arith.addi %add3A_539, %select_n3A_567 : vector<16xi32>
        %get3A_569 = arith.constant 0 : i32
        %get3A_570 = arith.constant 18 : i32
        %get3A_571 = arith.index_cast %get3A_569 : i32 to index
        %get3A_572 = arith.index_cast %get3A_570 : i32 to index
        %get3A_573 = arith.index_cast %mul3A_52 : i32 to index
        %get3A_574 = tpu.vector_load %arg9[%get3A_571, %get3A_572, %get3A_573] {strides = array<i32>} : memref<1x64x512xi32, #tpu.memory_space<vmem>>, vector<16xi32>,
        %get3A_575 = arith.constant 0 : i32
        %get3A_576 = arith.constant 18 : i32
        %get3A_577 = arith.index_cast %get3A_575 : i32 to index
        %get3A_578 = arith.index_cast %get3A_576 : i32 to index
        %get3A_579 = arith.index_cast %mul3A_52 : i32 to index
        %get3A_580 = tpu.vector_load %arg10[%get3A_577, %get3A_578, %get3A_579] {strides = array<i32>} : memref<1x64x512xf32, #tpu.memory_space<vmem>>, vector<16xf32>,
        %shift_right_logical3A_581 = arith.constant 3 : i32
        %shift_right_logical3A_582 = vector.broadcast %shift_right_logical3A_581 : i32 to vector<16xi32>
        %shift_right_logical3A_583 = arith.shrui %get3A_574, %shift_right_logical3A_582 : vector<16xi32>
        %gather3A_584 = tpu.vector_load_idx %arg8[%shift_right_logical3A_583] : memref<2048xi32, #tpu.memory_space<vmem>>[vector<16xi32>], vector<16xi32>,
        %gt3A_585 = arith.constant 5.000000e-01 : f32
        %gt3A_586 = vector.broadcast %gt3A_585 : f32 to vector<16xf32>
        %gt3A_587 = arith.cmpf ogt, %get3A_580, %gt3A_586 : vector<16xf32>
        %gt3A_588 = arith.constant 0 : i32
        %gt3A_589 = vector.broadcast %gt3A_588 : i32 to vector<16xi32>
        %gt3A_590 = arith.cmpi sgt, %gather3A_584, %gt3A_589 : vector<16xi32>
        %and3A_591 = arith.andi %gt3A_587, %gt3A_590 : vector<16xi1>
        %jit3A_592 = arith.constant 1 : i32
        %jit3A_593 = arith.constant 0 : i32
        %broadcast_in_dim3A_594 = vector.broadcast %jit3A_592 : i32 to vector<16xi32>
        %broadcast_in_dim3A_595 = vector.broadcast %jit3A_593 : i32 to vector<16xi32>
        %select_n3A_596 = arith.select %and3A_591, %broadcast_in_dim3A_594, %broadcast_in_dim3A_595 : vector<16xi1>, vector<16xi32>
        %add3A_597 = arith.addi %add3A_568, %select_n3A_596 : vector<16xi32>
        %get3A_598 = arith.constant 0 : i32
        %get3A_599 = arith.constant 19 : i32
        %get3A_600 = arith.index_cast %get3A_598 : i32 to index
        %get3A_601 = arith.index_cast %get3A_599 : i32 to index
        %get3A_602 = arith.index_cast %mul3A_52 : i32 to index
        %get3A_603 = tpu.vector_load %arg9[%get3A_600, %get3A_601, %get3A_602] {strides = array<i32>} : memref<1x64x512xi32, #tpu.memory_space<vmem>>, vector<16xi32>,
        %get3A_604 = arith.constant 0 : i32
        %get3A_605 = arith.constant 19 : i32
        %get3A_606 = arith.index_cast %get3A_604 : i32 to index
        %get3A_607 = arith.index_cast %get3A_605 : i32 to index
        %get3A_608 = arith.index_cast %mul3A_52 : i32 to index
        %get3A_609 = tpu.vector_load %arg10[%get3A_606, %get3A_607, %get3A_608] {strides = array<i32>} : memref<1x64x512xf32, #tpu.memory_space<vmem>>, vector<16xf32>,
        %shift_right_logical3A_610 = arith.constant 3 : i32
        %shift_right_logical3A_611 = vector.broadcast %shift_right_logical3A_610 : i32 to vector<16xi32>
        %shift_right_logical3A_612 = arith.shrui %get3A_603, %shift_right_logical3A_611 : vector<16xi32>
        %gather3A_613 = tpu.vector_load_idx %arg8[%shift_right_logical3A_612] : memref<2048xi32, #tpu.memory_space<vmem>>[vector<16xi32>], vector<16xi32>,
        %gt3A_614 = arith.constant 5.000000e-01 : f32
        %gt3A_615 = vector.broadcast %gt3A_614 : f32 to vector<16xf32>
        %gt3A_616 = arith.cmpf ogt, %get3A_609, %gt3A_615 : vector<16xf32>
        %gt3A_617 = arith.constant 0 : i32
        %gt3A_618 = vector.broadcast %gt3A_617 : i32 to vector<16xi32>
        %gt3A_619 = arith.cmpi sgt, %gather3A_613, %gt3A_618 : vector<16xi32>
        %and3A_620 = arith.andi %gt3A_616, %gt3A_619 : vector<16xi1>
        %jit3A_621 = arith.constant 1 : i32
        %jit3A_622 = arith.constant 0 : i32
        %broadcast_in_dim3A_623 = vector.broadcast %jit3A_621 : i32 to vector<16xi32>
        %broadcast_in_dim3A_624 = vector.broadcast %jit3A_622 : i32 to vector<16xi32>
        %select_n3A_625 = arith.select %and3A_620, %broadcast_in_dim3A_623, %broadcast_in_dim3A_624 : vector<16xi1>, vector<16xi32>
        %add3A_626 = arith.addi %add3A_597, %select_n3A_625 : vector<16xi32>
        %get3A_627 = arith.constant 0 : i32
        %get3A_628 = arith.constant 20 : i32
        %get3A_629 = arith.index_cast %get3A_627 : i32 to index
        %get3A_630 = arith.index_cast %get3A_628 : i32 to index
        %get3A_631 = arith.index_cast %mul3A_52 : i32 to index
        %get3A_632 = tpu.vector_load %arg9[%get3A_629, %get3A_630, %get3A_631] {strides = array<i32>} : memref<1x64x512xi32, #tpu.memory_space<vmem>>, vector<16xi32>,
        %get3A_633 = arith.constant 0 : i32
        %get3A_634 = arith.constant 20 : i32
        %get3A_635 = arith.index_cast %get3A_633 : i32 to index
        %get3A_636 = arith.index_cast %get3A_634 : i32 to index
        %get3A_637 = arith.index_cast %mul3A_52 : i32 to index
        %get3A_638 = tpu.vector_load %arg10[%get3A_635, %get3A_636, %get3A_637] {strides = array<i32>} : memref<1x64x512xf32, #tpu.memory_space<vmem>>, vector<16xf32>,
        %shift_right_logical3A_639 = arith.constant 3 : i32
        %shift_right_logical3A_640 = vector.broadcast %shift_right_logical3A_639 : i32 to vector<16xi32>
        %shift_right_logical3A_641 = arith.shrui %get3A_632, %shift_right_logical3A_640 : vector<16xi32>
        %gather3A_642 = tpu.vector_load_idx %arg8[%shift_right_logical3A_641] : memref<2048xi32, #tpu.memory_space<vmem>>[vector<16xi32>], vector<16xi32>,
        %gt3A_643 = arith.constant 5.000000e-01 : f32
        %gt3A_644 = vector.broadcast %gt3A_643 : f32 to vector<16xf32>
        %gt3A_645 = arith.cmpf ogt, %get3A_638, %gt3A_644 : vector<16xf32>
        %gt3A_646 = arith.constant 0 : i32
        %gt3A_647 = vector.broadcast %gt3A_646 : i32 to vector<16xi32>
        %gt3A_648 = arith.cmpi sgt, %gather3A_642, %gt3A_647 : vector<16xi32>
        %and3A_649 = arith.andi %gt3A_645, %gt3A_648 : vector<16xi1>
        %jit3A_650 = arith.constant 1 : i32
        %jit3A_651 = arith.constant 0 : i32
        %broadcast_in_dim3A_652 = vector.broadcast %jit3A_650 : i32 to vector<16xi32>
        %broadcast_in_dim3A_653 = vector.broadcast %jit3A_651 : i32 to vector<16xi32>
        %select_n3A_654 = arith.select %and3A_649, %broadcast_in_dim3A_652, %broadcast_in_dim3A_653 : vector<16xi1>, vector<16xi32>
        %add3A_655 = arith.addi %add3A_626, %select_n3A_654 : vector<16xi32>
        %get3A_656 = arith.constant 0 : i32
        %get3A_657 = arith.constant 21 : i32
        %get3A_658 = arith.index_cast %get3A_656 : i32 to index
        %get3A_659 = arith.index_cast %get3A_657 : i32 to index
        %get3A_660 = arith.index_cast %mul3A_52 : i32 to index
        %get3A_661 = tpu.vector_load %arg9[%get3A_658, %get3A_659, %get3A_660] {strides = array<i32>} : memref<1x64x512xi32, #tpu.memory_space<vmem>>, vector<16xi32>,
        %get3A_662 = arith.constant 0 : i32
        %get3A_663 = arith.constant 21 : i32
        %get3A_664 = arith.index_cast %get3A_662 : i32 to index
        %get3A_665 = arith.index_cast %get3A_663 : i32 to index
        %get3A_666 = arith.index_cast %mul3A_52 : i32 to index
        %get3A_667 = tpu.vector_load %arg10[%get3A_664, %get3A_665, %get3A_666] {strides = array<i32>} : memref<1x64x512xf32, #tpu.memory_space<vmem>>, vector<16xf32>,
        %shift_right_logical3A_668 = arith.constant 3 : i32
        %shift_right_logical3A_669 = vector.broadcast %shift_right_logical3A_668 : i32 to vector<16xi32>
        %shift_right_logical3A_670 = arith.shrui %get3A_661, %shift_right_logical3A_669 : vector<16xi32>
        %gather3A_671 = tpu.vector_load_idx %arg8[%shift_right_logical3A_670] : memref<2048xi32, #tpu.memory_space<vmem>>[vector<16xi32>], vector<16xi32>,
        %gt3A_672 = arith.constant 5.000000e-01 : f32
        %gt3A_673 = vector.broadcast %gt3A_672 : f32 to vector<16xf32>
        %gt3A_674 = arith.cmpf ogt, %get3A_667, %gt3A_673 : vector<16xf32>
        %gt3A_675 = arith.constant 0 : i32
        %gt3A_676 = vector.broadcast %gt3A_675 : i32 to vector<16xi32>
        %gt3A_677 = arith.cmpi sgt, %gather3A_671, %gt3A_676 : vector<16xi32>
        %and3A_678 = arith.andi %gt3A_674, %gt3A_677 : vector<16xi1>
        %jit3A_679 = arith.constant 1 : i32
        %jit3A_680 = arith.constant 0 : i32
        %broadcast_in_dim3A_681 = vector.broadcast %jit3A_679 : i32 to vector<16xi32>
        %broadcast_in_dim3A_682 = vector.broadcast %jit3A_680 : i32 to vector<16xi32>
        %select_n3A_683 = arith.select %and3A_678, %broadcast_in_dim3A_681, %broadcast_in_dim3A_682 : vector<16xi1>, vector<16xi32>
        %add3A_684 = arith.addi %add3A_655, %select_n3A_683 : vector<16xi32>
        %get3A_685 = arith.constant 0 : i32
        %get3A_686 = arith.constant 22 : i32
        %get3A_687 = arith.index_cast %get3A_685 : i32 to index
        %get3A_688 = arith.index_cast %get3A_686 : i32 to index
        %get3A_689 = arith.index_cast %mul3A_52 : i32 to index
        %get3A_690 = tpu.vector_load %arg9[%get3A_687, %get3A_688, %get3A_689] {strides = array<i32>} : memref<1x64x512xi32, #tpu.memory_space<vmem>>, vector<16xi32>,
        %get3A_691 = arith.constant 0 : i32
        %get3A_692 = arith.constant 22 : i32
        %get3A_693 = arith.index_cast %get3A_691 : i32 to index
        %get3A_694 = arith.index_cast %get3A_692 : i32 to index
        %get3A_695 = arith.index_cast %mul3A_52 : i32 to index
        %get3A_696 = tpu.vector_load %arg10[%get3A_693, %get3A_694, %get3A_695] {strides = array<i32>} : memref<1x64x512xf32, #tpu.memory_space<vmem>>, vector<16xf32>,
        %shift_right_logical3A_697 = arith.constant 3 : i32
        %shift_right_logical3A_698 = vector.broadcast %shift_right_logical3A_697 : i32 to vector<16xi32>
        %shift_right_logical3A_699 = arith.shrui %get3A_690, %shift_right_logical3A_698 : vector<16xi32>
        %gather3A_700 = tpu.vector_load_idx %arg8[%shift_right_logical3A_699] : memref<2048xi32, #tpu.memory_space<vmem>>[vector<16xi32>], vector<16xi32>,
        %gt3A_701 = arith.constant 5.000000e-01 : f32
        %gt3A_702 = vector.broadcast %gt3A_701 : f32 to vector<16xf32>
        %gt3A_703 = arith.cmpf ogt, %get3A_696, %gt3A_702 : vector<16xf32>
        %gt3A_704 = arith.constant 0 : i32
        %gt3A_705 = vector.broadcast %gt3A_704 : i32 to vector<16xi32>
        %gt3A_706 = arith.cmpi sgt, %gather3A_700, %gt3A_705 : vector<16xi32>
        %and3A_707 = arith.andi %gt3A_703, %gt3A_706 : vector<16xi1>
        %jit3A_708 = arith.constant 1 : i32
        %jit3A_709 = arith.constant 0 : i32
        %broadcast_in_dim3A_710 = vector.broadcast %jit3A_708 : i32 to vector<16xi32>
        %broadcast_in_dim3A_711 = vector.broadcast %jit3A_709 : i32 to vector<16xi32>
        %select_n3A_712 = arith.select %and3A_707, %broadcast_in_dim3A_710, %broadcast_in_dim3A_711 : vector<16xi1>, vector<16xi32>
        %add3A_713 = arith.addi %add3A_684, %select_n3A_712 : vector<16xi32>
        %get3A_714 = arith.constant 0 : i32
        %get3A_715 = arith.constant 23 : i32
        %get3A_716 = arith.index_cast %get3A_714 : i32 to index
        %get3A_717 = arith.index_cast %get3A_715 : i32 to index
        %get3A_718 = arith.index_cast %mul3A_52 : i32 to index
        %get3A_719 = tpu.vector_load %arg9[%get3A_716, %get3A_717, %get3A_718] {strides = array<i32>} : memref<1x64x512xi32, #tpu.memory_space<vmem>>, vector<16xi32>,
        %get3A_720 = arith.constant 0 : i32
        %get3A_721 = arith.constant 23 : i32
        %get3A_722 = arith.index_cast %get3A_720 : i32 to index
        %get3A_723 = arith.index_cast %get3A_721 : i32 to index
        %get3A_724 = arith.index_cast %mul3A_52 : i32 to index
        %get3A_725 = tpu.vector_load %arg10[%get3A_722, %get3A_723, %get3A_724] {strides = array<i32>} : memref<1x64x512xf32, #tpu.memory_space<vmem>>, vector<16xf32>,
        %shift_right_logical3A_726 = arith.constant 3 : i32
        %shift_right_logical3A_727 = vector.broadcast %shift_right_logical3A_726 : i32 to vector<16xi32>
        %shift_right_logical3A_728 = arith.shrui %get3A_719, %shift_right_logical3A_727 : vector<16xi32>
        %gather3A_729 = tpu.vector_load_idx %arg8[%shift_right_logical3A_728] : memref<2048xi32, #tpu.memory_space<vmem>>[vector<16xi32>], vector<16xi32>,
        %gt3A_730 = arith.constant 5.000000e-01 : f32
        %gt3A_731 = vector.broadcast %gt3A_730 : f32 to vector<16xf32>
        %gt3A_732 = arith.cmpf ogt, %get3A_725, %gt3A_731 : vector<16xf32>
        %gt3A_733 = arith.constant 0 : i32
        %gt3A_734 = vector.broadcast %gt3A_733 : i32 to vector<16xi32>
        %gt3A_735 = arith.cmpi sgt, %gather3A_729, %gt3A_734 : vector<16xi32>
        %and3A_736 = arith.andi %gt3A_732, %gt3A_735 : vector<16xi1>
        %jit3A_737 = arith.constant 1 : i32
        %jit3A_738 = arith.constant 0 : i32
        %broadcast_in_dim3A_739 = vector.broadcast %jit3A_737 : i32 to vector<16xi32>
        %broadcast_in_dim3A_740 = vector.broadcast %jit3A_738 : i32 to vector<16xi32>
        %select_n3A_741 = arith.select %and3A_736, %broadcast_in_dim3A_739, %broadcast_in_dim3A_740 : vector<16xi1>, vector<16xi32>
        %add3A_742 = arith.addi %add3A_713, %select_n3A_741 : vector<16xi32>
        %get3A_743 = arith.constant 0 : i32
        %get3A_744 = arith.constant 24 : i32
        %get3A_745 = arith.index_cast %get3A_743 : i32 to index
        %get3A_746 = arith.index_cast %get3A_744 : i32 to index
        %get3A_747 = arith.index_cast %mul3A_52 : i32 to index
        %get3A_748 = tpu.vector_load %arg9[%get3A_745, %get3A_746, %get3A_747] {strides = array<i32>} : memref<1x64x512xi32, #tpu.memory_space<vmem>>, vector<16xi32>,
        %get3A_749 = arith.constant 0 : i32
        %get3A_750 = arith.constant 24 : i32
        %get3A_751 = arith.index_cast %get3A_749 : i32 to index
        %get3A_752 = arith.index_cast %get3A_750 : i32 to index
        %get3A_753 = arith.index_cast %mul3A_52 : i32 to index
        %get3A_754 = tpu.vector_load %arg10[%get3A_751, %get3A_752, %get3A_753] {strides = array<i32>} : memref<1x64x512xf32, #tpu.memory_space<vmem>>, vector<16xf32>,
        %shift_right_logical3A_755 = arith.constant 3 : i32
        %shift_right_logical3A_756 = vector.broadcast %shift_right_logical3A_755 : i32 to vector<16xi32>
        %shift_right_logical3A_757 = arith.shrui %get3A_748, %shift_right_logical3A_756 : vector<16xi32>
        %gather3A_758 = tpu.vector_load_idx %arg8[%shift_right_logical3A_757] : memref<2048xi32, #tpu.memory_space<vmem>>[vector<16xi32>], vector<16xi32>,
        %gt3A_759 = arith.constant 5.000000e-01 : f32
        %gt3A_760 = vector.broadcast %gt3A_759 : f32 to vector<16xf32>
        %gt3A_761 = arith.cmpf ogt, %get3A_754, %gt3A_760 : vector<16xf32>
        %gt3A_762 = arith.constant 0 : i32
        %gt3A_763 = vector.broadcast %gt3A_762 : i32 to vector<16xi32>
        %gt3A_764 = arith.cmpi sgt, %gather3A_758, %gt3A_763 : vector<16xi32>
        %and3A_765 = arith.andi %gt3A_761, %gt3A_764 : vector<16xi1>
        %jit3A_766 = arith.constant 1 : i32
        %jit3A_767 = arith.constant 0 : i32
        %broadcast_in_dim3A_768 = vector.broadcast %jit3A_766 : i32 to vector<16xi32>
        %broadcast_in_dim3A_769 = vector.broadcast %jit3A_767 : i32 to vector<16xi32>
        %select_n3A_770 = arith.select %and3A_765, %broadcast_in_dim3A_768, %broadcast_in_dim3A_769 : vector<16xi1>, vector<16xi32>
        %add3A_771 = arith.addi %add3A_742, %select_n3A_770 : vector<16xi32>
        %get3A_772 = arith.constant 0 : i32
        %get3A_773 = arith.constant 25 : i32
        %get3A_774 = arith.index_cast %get3A_772 : i32 to index
        %get3A_775 = arith.index_cast %get3A_773 : i32 to index
        %get3A_776 = arith.index_cast %mul3A_52 : i32 to index
        %get3A_777 = tpu.vector_load %arg9[%get3A_774, %get3A_775, %get3A_776] {strides = array<i32>} : memref<1x64x512xi32, #tpu.memory_space<vmem>>, vector<16xi32>,
        %get3A_778 = arith.constant 0 : i32
        %get3A_779 = arith.constant 25 : i32
        %get3A_780 = arith.index_cast %get3A_778 : i32 to index
        %get3A_781 = arith.index_cast %get3A_779 : i32 to index
        %get3A_782 = arith.index_cast %mul3A_52 : i32 to index
        %get3A_783 = tpu.vector_load %arg10[%get3A_780, %get3A_781, %get3A_782] {strides = array<i32>} : memref<1x64x512xf32, #tpu.memory_space<vmem>>, vector<16xf32>,
        %shift_right_logical3A_784 = arith.constant 3 : i32
        %shift_right_logical3A_785 = vector.broadcast %shift_right_logical3A_784 : i32 to vector<16xi32>
        %shift_right_logical3A_786 = arith.shrui %get3A_777, %shift_right_logical3A_785 : vector<16xi32>
        %gather3A_787 = tpu.vector_load_idx %arg8[%shift_right_logical3A_786] : memref<2048xi32, #tpu.memory_space<vmem>>[vector<16xi32>], vector<16xi32>,
        %gt3A_788 = arith.constant 5.000000e-01 : f32
        %gt3A_789 = vector.broadcast %gt3A_788 : f32 to vector<16xf32>
        %gt3A_790 = arith.cmpf ogt, %get3A_783, %gt3A_789 : vector<16xf32>
        %gt3A_791 = arith.constant 0 : i32
        %gt3A_792 = vector.broadcast %gt3A_791 : i32 to vector<16xi32>
        %gt3A_793 = arith.cmpi sgt, %gather3A_787, %gt3A_792 : vector<16xi32>
        %and3A_794 = arith.andi %gt3A_790, %gt3A_793 : vector<16xi1>
        %jit3A_795 = arith.constant 1 : i32
        %jit3A_796 = arith.constant 0 : i32
        %broadcast_in_dim3A_797 = vector.broadcast %jit3A_795 : i32 to vector<16xi32>
        %broadcast_in_dim3A_798 = vector.broadcast %jit3A_796 : i32 to vector<16xi32>
        %select_n3A_799 = arith.select %and3A_794, %broadcast_in_dim3A_797, %broadcast_in_dim3A_798 : vector<16xi1>, vector<16xi32>
        %add3A_800 = arith.addi %add3A_771, %select_n3A_799 : vector<16xi32>
        %get3A_801 = arith.constant 0 : i32
        %get3A_802 = arith.constant 26 : i32
        %get3A_803 = arith.index_cast %get3A_801 : i32 to index
        %get3A_804 = arith.index_cast %get3A_802 : i32 to index
        %get3A_805 = arith.index_cast %mul3A_52 : i32 to index
        %get3A_806 = tpu.vector_load %arg9[%get3A_803, %get3A_804, %get3A_805] {strides = array<i32>} : memref<1x64x512xi32, #tpu.memory_space<vmem>>, vector<16xi32>,
        %get3A_807 = arith.constant 0 : i32
        %get3A_808 = arith.constant 26 : i32
        %get3A_809 = arith.index_cast %get3A_807 : i32 to index
        %get3A_810 = arith.index_cast %get3A_808 : i32 to index
        %get3A_811 = arith.index_cast %mul3A_52 : i32 to index
        %get3A_812 = tpu.vector_load %arg10[%get3A_809, %get3A_810, %get3A_811] {strides = array<i32>} : memref<1x64x512xf32, #tpu.memory_space<vmem>>, vector<16xf32>,
        %shift_right_logical3A_813 = arith.constant 3 : i32
        %shift_right_logical3A_814 = vector.broadcast %shift_right_logical3A_813 : i32 to vector<16xi32>
        %shift_right_logical3A_815 = arith.shrui %get3A_806, %shift_right_logical3A_814 : vector<16xi32>
        %gather3A_816 = tpu.vector_load_idx %arg8[%shift_right_logical3A_815] : memref<2048xi32, #tpu.memory_space<vmem>>[vector<16xi32>], vector<16xi32>,
        %gt3A_817 = arith.constant 5.000000e-01 : f32
        %gt3A_818 = vector.broadcast %gt3A_817 : f32 to vector<16xf32>
        %gt3A_819 = arith.cmpf ogt, %get3A_812, %gt3A_818 : vector<16xf32>
        %gt3A_820 = arith.constant 0 : i32
        %gt3A_821 = vector.broadcast %gt3A_820 : i32 to vector<16xi32>
        %gt3A_822 = arith.cmpi sgt, %gather3A_816, %gt3A_821 : vector<16xi32>
        %and3A_823 = arith.andi %gt3A_819, %gt3A_822 : vector<16xi1>
        %jit3A_824 = arith.constant 1 : i32
        %jit3A_825 = arith.constant 0 : i32
        %broadcast_in_dim3A_826 = vector.broadcast %jit3A_824 : i32 to vector<16xi32>
        %broadcast_in_dim3A_827 = vector.broadcast %jit3A_825 : i32 to vector<16xi32>
        %select_n3A_828 = arith.select %and3A_823, %broadcast_in_dim3A_826, %broadcast_in_dim3A_827 : vector<16xi1>, vector<16xi32>
        %add3A_829 = arith.addi %add3A_800, %select_n3A_828 : vector<16xi32>
        %get3A_830 = arith.constant 0 : i32
        %get3A_831 = arith.constant 27 : i32
        %get3A_832 = arith.index_cast %get3A_830 : i32 to index
        %get3A_833 = arith.index_cast %get3A_831 : i32 to index
        %get3A_834 = arith.index_cast %mul3A_52 : i32 to index
        %get3A_835 = tpu.vector_load %arg9[%get3A_832, %get3A_833, %get3A_834] {strides = array<i32>} : memref<1x64x512xi32, #tpu.memory_space<vmem>>, vector<16xi32>,
        %get3A_836 = arith.constant 0 : i32
        %get3A_837 = arith.constant 27 : i32
        %get3A_838 = arith.index_cast %get3A_836 : i32 to index
        %get3A_839 = arith.index_cast %get3A_837 : i32 to index
        %get3A_840 = arith.index_cast %mul3A_52 : i32 to index
        %get3A_841 = tpu.vector_load %arg10[%get3A_838, %get3A_839, %get3A_840] {strides = array<i32>} : memref<1x64x512xf32, #tpu.memory_space<vmem>>, vector<16xf32>,
        %shift_right_logical3A_842 = arith.constant 3 : i32
        %shift_right_logical3A_843 = vector.broadcast %shift_right_logical3A_842 : i32 to vector<16xi32>
        %shift_right_logical3A_844 = arith.shrui %get3A_835, %shift_right_logical3A_843 : vector<16xi32>
        %gather3A_845 = tpu.vector_load_idx %arg8[%shift_right_logical3A_844] : memref<2048xi32, #tpu.memory_space<vmem>>[vector<16xi32>], vector<16xi32>,
        %gt3A_846 = arith.constant 5.000000e-01 : f32
        %gt3A_847 = vector.broadcast %gt3A_846 : f32 to vector<16xf32>
        %gt3A_848 = arith.cmpf ogt, %get3A_841, %gt3A_847 : vector<16xf32>
        %gt3A_849 = arith.constant 0 : i32
        %gt3A_850 = vector.broadcast %gt3A_849 : i32 to vector<16xi32>
        %gt3A_851 = arith.cmpi sgt, %gather3A_845, %gt3A_850 : vector<16xi32>
        %and3A_852 = arith.andi %gt3A_848, %gt3A_851 : vector<16xi1>
        %jit3A_853 = arith.constant 1 : i32
        %jit3A_854 = arith.constant 0 : i32
        %broadcast_in_dim3A_855 = vector.broadcast %jit3A_853 : i32 to vector<16xi32>
        %broadcast_in_dim3A_856 = vector.broadcast %jit3A_854 : i32 to vector<16xi32>
        %select_n3A_857 = arith.select %and3A_852, %broadcast_in_dim3A_855, %broadcast_in_dim3A_856 : vector<16xi1>, vector<16xi32>
        %add3A_858 = arith.addi %add3A_829, %select_n3A_857 : vector<16xi32>
        %get3A_859 = arith.constant 0 : i32
        %get3A_860 = arith.constant 28 : i32
        %get3A_861 = arith.index_cast %get3A_859 : i32 to index
        %get3A_862 = arith.index_cast %get3A_860 : i32 to index
        %get3A_863 = arith.index_cast %mul3A_52 : i32 to index
        %get3A_864 = tpu.vector_load %arg9[%get3A_861, %get3A_862, %get3A_863] {strides = array<i32>} : memref<1x64x512xi32, #tpu.memory_space<vmem>>, vector<16xi32>,
        %get3A_865 = arith.constant 0 : i32
        %get3A_866 = arith.constant 28 : i32
        %get3A_867 = arith.index_cast %get3A_865 : i32 to index
        %get3A_868 = arith.index_cast %get3A_866 : i32 to index
        %get3A_869 = arith.index_cast %mul3A_52 : i32 to index
        %get3A_870 = tpu.vector_load %arg10[%get3A_867, %get3A_868, %get3A_869] {strides = array<i32>} : memref<1x64x512xf32, #tpu.memory_space<vmem>>, vector<16xf32>,
        %shift_right_logical3A_871 = arith.constant 3 : i32
        %shift_right_logical3A_872 = vector.broadcast %shift_right_logical3A_871 : i32 to vector<16xi32>
        %shift_right_logical3A_873 = arith.shrui %get3A_864, %shift_right_logical3A_872 : vector<16xi32>
        %gather3A_874 = tpu.vector_load_idx %arg8[%shift_right_logical3A_873] : memref<2048xi32, #tpu.memory_space<vmem>>[vector<16xi32>], vector<16xi32>,
        %gt3A_875 = arith.constant 5.000000e-01 : f32
        %gt3A_876 = vector.broadcast %gt3A_875 : f32 to vector<16xf32>
        %gt3A_877 = arith.cmpf ogt, %get3A_870, %gt3A_876 : vector<16xf32>
        %gt3A_878 = arith.constant 0 : i32
        %gt3A_879 = vector.broadcast %gt3A_878 : i32 to vector<16xi32>
        %gt3A_880 = arith.cmpi sgt, %gather3A_874, %gt3A_879 : vector<16xi32>
        %and3A_881 = arith.andi %gt3A_877, %gt3A_880 : vector<16xi1>
        %jit3A_882 = arith.constant 1 : i32
        %jit3A_883 = arith.constant 0 : i32
        %broadcast_in_dim3A_884 = vector.broadcast %jit3A_882 : i32 to vector<16xi32>
        %broadcast_in_dim3A_885 = vector.broadcast %jit3A_883 : i32 to vector<16xi32>
        %select_n3A_886 = arith.select %and3A_881, %broadcast_in_dim3A_884, %broadcast_in_dim3A_885 : vector<16xi1>, vector<16xi32>
        %add3A_887 = arith.addi %add3A_858, %select_n3A_886 : vector<16xi32>
        %get3A_888 = arith.constant 0 : i32
        %get3A_889 = arith.constant 29 : i32
        %get3A_890 = arith.index_cast %get3A_888 : i32 to index
        %get3A_891 = arith.index_cast %get3A_889 : i32 to index
        %get3A_892 = arith.index_cast %mul3A_52 : i32 to index
        %get3A_893 = tpu.vector_load %arg9[%get3A_890, %get3A_891, %get3A_892] {strides = array<i32>} : memref<1x64x512xi32, #tpu.memory_space<vmem>>, vector<16xi32>,
        %get3A_894 = arith.constant 0 : i32
        %get3A_895 = arith.constant 29 : i32
        %get3A_896 = arith.index_cast %get3A_894 : i32 to index
        %get3A_897 = arith.index_cast %get3A_895 : i32 to index
        %get3A_898 = arith.index_cast %mul3A_52 : i32 to index
        %get3A_899 = tpu.vector_load %arg10[%get3A_896, %get3A_897, %get3A_898] {strides = array<i32>} : memref<1x64x512xf32, #tpu.memory_space<vmem>>, vector<16xf32>,
        %shift_right_logical3A_900 = arith.constant 3 : i32
        %shift_right_logical3A_901 = vector.broadcast %shift_right_logical3A_900 : i32 to vector<16xi32>
        %shift_right_logical3A_902 = arith.shrui %get3A_893, %shift_right_logical3A_901 : vector<16xi32>
        %gather3A_903 = tpu.vector_load_idx %arg8[%shift_right_logical3A_902] : memref<2048xi32, #tpu.memory_space<vmem>>[vector<16xi32>], vector<16xi32>,
        %gt3A_904 = arith.constant 5.000000e-01 : f32
        %gt3A_905 = vector.broadcast %gt3A_904 : f32 to vector<16xf32>
        %gt3A_906 = arith.cmpf ogt, %get3A_899, %gt3A_905 : vector<16xf32>
        %gt3A_907 = arith.constant 0 : i32
        %gt3A_908 = vector.broadcast %gt3A_907 : i32 to vector<16xi32>
        %gt3A_909 = arith.cmpi sgt, %gather3A_903, %gt3A_908 : vector<16xi32>
        %and3A_910 = arith.andi %gt3A_906, %gt3A_909 : vector<16xi1>
        %jit3A_911 = arith.constant 1 : i32
        %jit3A_912 = arith.constant 0 : i32
        %broadcast_in_dim3A_913 = vector.broadcast %jit3A_911 : i32 to vector<16xi32>
        %broadcast_in_dim3A_914 = vector.broadcast %jit3A_912 : i32 to vector<16xi32>
        %select_n3A_915 = arith.select %and3A_910, %broadcast_in_dim3A_913, %broadcast_in_dim3A_914 : vector<16xi1>, vector<16xi32>
        %add3A_916 = arith.addi %add3A_887, %select_n3A_915 : vector<16xi32>
        %get3A_917 = arith.constant 0 : i32
        %get3A_918 = arith.constant 30 : i32
        %get3A_919 = arith.index_cast %get3A_917 : i32 to index
        %get3A_920 = arith.index_cast %get3A_918 : i32 to index
        %get3A_921 = arith.index_cast %mul3A_52 : i32 to index
        %get3A_922 = tpu.vector_load %arg9[%get3A_919, %get3A_920, %get3A_921] {strides = array<i32>} : memref<1x64x512xi32, #tpu.memory_space<vmem>>, vector<16xi32>,
        %get3A_923 = arith.constant 0 : i32
        %get3A_924 = arith.constant 30 : i32
        %get3A_925 = arith.index_cast %get3A_923 : i32 to index
        %get3A_926 = arith.index_cast %get3A_924 : i32 to index
        %get3A_927 = arith.index_cast %mul3A_52 : i32 to index
        %get3A_928 = tpu.vector_load %arg10[%get3A_925, %get3A_926, %get3A_927] {strides = array<i32>} : memref<1x64x512xf32, #tpu.memory_space<vmem>>, vector<16xf32>,
        %shift_right_logical3A_929 = arith.constant 3 : i32
        %shift_right_logical3A_930 = vector.broadcast %shift_right_logical3A_929 : i32 to vector<16xi32>
        %shift_right_logical3A_931 = arith.shrui %get3A_922, %shift_right_logical3A_930 : vector<16xi32>
        %gather3A_932 = tpu.vector_load_idx %arg8[%shift_right_logical3A_931] : memref<2048xi32, #tpu.memory_space<vmem>>[vector<16xi32>], vector<16xi32>,
        %gt3A_933 = arith.constant 5.000000e-01 : f32
        %gt3A_934 = vector.broadcast %gt3A_933 : f32 to vector<16xf32>
        %gt3A_935 = arith.cmpf ogt, %get3A_928, %gt3A_934 : vector<16xf32>
        %gt3A_936 = arith.constant 0 : i32
        %gt3A_937 = vector.broadcast %gt3A_936 : i32 to vector<16xi32>
        %gt3A_938 = arith.cmpi sgt, %gather3A_932, %gt3A_937 : vector<16xi32>
        %and3A_939 = arith.andi %gt3A_935, %gt3A_938 : vector<16xi1>
        %jit3A_940 = arith.constant 1 : i32
        %jit3A_941 = arith.constant 0 : i32
        %broadcast_in_dim3A_942 = vector.broadcast %jit3A_940 : i32 to vector<16xi32>
        %broadcast_in_dim3A_943 = vector.broadcast %jit3A_941 : i32 to vector<16xi32>
        %select_n3A_944 = arith.select %and3A_939, %broadcast_in_dim3A_942, %broadcast_in_dim3A_943 : vector<16xi1>, vector<16xi32>
        %add3A_945 = arith.addi %add3A_916, %select_n3A_944 : vector<16xi32>
        %get3A_946 = arith.constant 0 : i32
        %get3A_947 = arith.constant 31 : i32
        %get3A_948 = arith.index_cast %get3A_946 : i32 to index
        %get3A_949 = arith.index_cast %get3A_947 : i32 to index
        %get3A_950 = arith.index_cast %mul3A_52 : i32 to index
        %get3A_951 = tpu.vector_load %arg9[%get3A_948, %get3A_949, %get3A_950] {strides = array<i32>} : memref<1x64x512xi32, #tpu.memory_space<vmem>>, vector<16xi32>,
        %get3A_952 = arith.constant 0 : i32
        %get3A_953 = arith.constant 31 : i32
        %get3A_954 = arith.index_cast %get3A_952 : i32 to index
        %get3A_955 = arith.index_cast %get3A_953 : i32 to index
        %get3A_956 = arith.index_cast %mul3A_52 : i32 to index
        %get3A_957 = tpu.vector_load %arg10[%get3A_954, %get3A_955, %get3A_956] {strides = array<i32>} : memref<1x64x512xf32, #tpu.memory_space<vmem>>, vector<16xf32>,
        %shift_right_logical3A_958 = arith.constant 3 : i32
        %shift_right_logical3A_959 = vector.broadcast %shift_right_logical3A_958 : i32 to vector<16xi32>
        %shift_right_logical3A_960 = arith.shrui %get3A_951, %shift_right_logical3A_959 : vector<16xi32>
        %gather3A_961 = tpu.vector_load_idx %arg8[%shift_right_logical3A_960] : memref<2048xi32, #tpu.memory_space<vmem>>[vector<16xi32>], vector<16xi32>,
        %gt3A_962 = arith.constant 5.000000e-01 : f32
        %gt3A_963 = vector.broadcast %gt3A_962 : f32 to vector<16xf32>
        %gt3A_964 = arith.cmpf ogt, %get3A_957, %gt3A_963 : vector<16xf32>
        %gt3A_965 = arith.constant 0 : i32
        %gt3A_966 = vector.broadcast %gt3A_965 : i32 to vector<16xi32>
        %gt3A_967 = arith.cmpi sgt, %gather3A_961, %gt3A_966 : vector<16xi32>
        %and3A_968 = arith.andi %gt3A_964, %gt3A_967 : vector<16xi1>
        %jit3A_969 = arith.constant 1 : i32
        %jit3A_970 = arith.constant 0 : i32
        %broadcast_in_dim3A_971 = vector.broadcast %jit3A_969 : i32 to vector<16xi32>
        %broadcast_in_dim3A_972 = vector.broadcast %jit3A_970 : i32 to vector<16xi32>
        %select_n3A_973 = arith.select %and3A_968, %broadcast_in_dim3A_971, %broadcast_in_dim3A_972 : vector<16xi1>, vector<16xi32>
        %add3A_974 = arith.addi %add3A_945, %select_n3A_973 : vector<16xi32>
        %get3A_975 = arith.constant 0 : i32
        %get3A_976 = arith.constant 32 : i32
        %get3A_977 = arith.index_cast %get3A_975 : i32 to index
        %get3A_978 = arith.index_cast %get3A_976 : i32 to index
        %get3A_979 = arith.index_cast %mul3A_52 : i32 to index
        %get3A_980 = tpu.vector_load %arg9[%get3A_977, %get3A_978, %get3A_979] {strides = array<i32>} : memref<1x64x512xi32, #tpu.memory_space<vmem>>, vector<16xi32>,
        %get3A_981 = arith.constant 0 : i32
        %get3A_982 = arith.constant 32 : i32
        %get3A_983 = arith.index_cast %get3A_981 : i32 to index
        %get3A_984 = arith.index_cast %get3A_982 : i32 to index
        %get3A_985 = arith.index_cast %mul3A_52 : i32 to index
        %get3A_986 = tpu.vector_load %arg10[%get3A_983, %get3A_984, %get3A_985] {strides = array<i32>} : memref<1x64x512xf32, #tpu.memory_space<vmem>>, vector<16xf32>,
        %shift_right_logical3A_987 = arith.constant 3 : i32
        %shift_right_logical3A_988 = vector.broadcast %shift_right_logical3A_987 : i32 to vector<16xi32>
        %shift_right_logical3A_989 = arith.shrui %get3A_980, %shift_right_logical3A_988 : vector<16xi32>
        %gather3A_990 = tpu.vector_load_idx %arg8[%shift_right_logical3A_989] : memref<2048xi32, #tpu.memory_space<vmem>>[vector<16xi32>], vector<16xi32>,
        %gt3A_991 = arith.constant 5.000000e-01 : f32
        %gt3A_992 = vector.broadcast %gt3A_991 : f32 to vector<16xf32>
        %gt3A_993 = arith.cmpf ogt, %get3A_986, %gt3A_992 : vector<16xf32>
        %gt3A_994 = arith.constant 0 : i32
        %gt3A_995 = vector.broadcast %gt3A_994 : i32 to vector<16xi32>
        %gt3A_996 = arith.cmpi sgt, %gather3A_990, %gt3A_995 : vector<16xi32>
        %and3A_997 = arith.andi %gt3A_993, %gt3A_996 : vector<16xi1>
        %jit3A_998 = arith.constant 1 : i32
        %jit3A_999 = arith.constant 0 : i32
        %broadcast_in_dim3A_1000 = vector.broadcast %jit3A_998 : i32 to vector<16xi32>
        %broadcast_in_dim3A_1001 = vector.broadcast %jit3A_999 : i32 to vector<16xi32>
        %select_n3A_1002 = arith.select %and3A_997, %broadcast_in_dim3A_1000, %broadcast_in_dim3A_1001 : vector<16xi1>, vector<16xi32>
        %add3A_1003 = arith.addi %add3A_974, %select_n3A_1002 : vector<16xi32>
        %get3A_1004 = arith.constant 0 : i32
        %get3A_1005 = arith.constant 33 : i32
        %get3A_1006 = arith.index_cast %get3A_1004 : i32 to index
        %get3A_1007 = arith.index_cast %get3A_1005 : i32 to index
        %get3A_1008 = arith.index_cast %mul3A_52 : i32 to index
        %get3A_1009 = tpu.vector_load %arg9[%get3A_1006, %get3A_1007, %get3A_1008] {strides = array<i32>} : memref<1x64x512xi32, #tpu.memory_space<vmem>>, vector<16xi32>,
        %get3A_1010 = arith.constant 0 : i32
        %get3A_1011 = arith.constant 33 : i32
        %get3A_1012 = arith.index_cast %get3A_1010 : i32 to index
        %get3A_1013 = arith.index_cast %get3A_1011 : i32 to index
        %get3A_1014 = arith.index_cast %mul3A_52 : i32 to index
        %get3A_1015 = tpu.vector_load %arg10[%get3A_1012, %get3A_1013, %get3A_1014] {strides = array<i32>} : memref<1x64x512xf32, #tpu.memory_space<vmem>>, vector<16xf32>,
        %shift_right_logical3A_1016 = arith.constant 3 : i32
        %shift_right_logical3A_1017 = vector.broadcast %shift_right_logical3A_1016 : i32 to vector<16xi32>
        %shift_right_logical3A_1018 = arith.shrui %get3A_1009, %shift_right_logical3A_1017 : vector<16xi32>
        %gather3A_1019 = tpu.vector_load_idx %arg8[%shift_right_logical3A_1018] : memref<2048xi32, #tpu.memory_space<vmem>>[vector<16xi32>], vector<16xi32>,
        %gt3A_1020 = arith.constant 5.000000e-01 : f32
        %gt3A_1021 = vector.broadcast %gt3A_1020 : f32 to vector<16xf32>
        %gt3A_1022 = arith.cmpf ogt, %get3A_1015, %gt3A_1021 : vector<16xf32>
        %gt3A_1023 = arith.constant 0 : i32
        %gt3A_1024 = vector.broadcast %gt3A_1023 : i32 to vector<16xi32>
        %gt3A_1025 = arith.cmpi sgt, %gather3A_1019, %gt3A_1024 : vector<16xi32>
        %and3A_1026 = arith.andi %gt3A_1022, %gt3A_1025 : vector<16xi1>
        %jit3A_1027 = arith.constant 1 : i32
        %jit3A_1028 = arith.constant 0 : i32
        %broadcast_in_dim3A_1029 = vector.broadcast %jit3A_1027 : i32 to vector<16xi32>
        %broadcast_in_dim3A_1030 = vector.broadcast %jit3A_1028 : i32 to vector<16xi32>
        %select_n3A_1031 = arith.select %and3A_1026, %broadcast_in_dim3A_1029, %broadcast_in_dim3A_1030 : vector<16xi1>, vector<16xi32>
        %add3A_1032 = arith.addi %add3A_1003, %select_n3A_1031 : vector<16xi32>
        %get3A_1033 = arith.constant 0 : i32
        %get3A_1034 = arith.constant 34 : i32
        %get3A_1035 = arith.index_cast %get3A_1033 : i32 to index
        %get3A_1036 = arith.index_cast %get3A_1034 : i32 to index
        %get3A_1037 = arith.index_cast %mul3A_52 : i32 to index
        %get3A_1038 = tpu.vector_load %arg9[%get3A_1035, %get3A_1036, %get3A_1037] {strides = array<i32>} : memref<1x64x512xi32, #tpu.memory_space<vmem>>, vector<16xi32>,
        %get3A_1039 = arith.constant 0 : i32
        %get3A_1040 = arith.constant 34 : i32
        %get3A_1041 = arith.index_cast %get3A_1039 : i32 to index
        %get3A_1042 = arith.index_cast %get3A_1040 : i32 to index
        %get3A_1043 = arith.index_cast %mul3A_52 : i32 to index
        %get3A_1044 = tpu.vector_load %arg10[%get3A_1041, %get3A_1042, %get3A_1043] {strides = array<i32>} : memref<1x64x512xf32, #tpu.memory_space<vmem>>, vector<16xf32>,
        %shift_right_logical3A_1045 = arith.constant 3 : i32
        %shift_right_logical3A_1046 = vector.broadcast %shift_right_logical3A_1045 : i32 to vector<16xi32>
        %shift_right_logical3A_1047 = arith.shrui %get3A_1038, %shift_right_logical3A_1046 : vector<16xi32>
        %gather3A_1048 = tpu.vector_load_idx %arg8[%shift_right_logical3A_1047] : memref<2048xi32, #tpu.memory_space<vmem>>[vector<16xi32>], vector<16xi32>,
        %gt3A_1049 = arith.constant 5.000000e-01 : f32
        %gt3A_1050 = vector.broadcast %gt3A_1049 : f32 to vector<16xf32>
        %gt3A_1051 = arith.cmpf ogt, %get3A_1044, %gt3A_1050 : vector<16xf32>
        %gt3A_1052 = arith.constant 0 : i32
        %gt3A_1053 = vector.broadcast %gt3A_1052 : i32 to vector<16xi32>
        %gt3A_1054 = arith.cmpi sgt, %gather3A_1048, %gt3A_1053 : vector<16xi32>
        %and3A_1055 = arith.andi %gt3A_1051, %gt3A_1054 : vector<16xi1>
        %jit3A_1056 = arith.constant 1 : i32
        %jit3A_1057 = arith.constant 0 : i32
        %broadcast_in_dim3A_1058 = vector.broadcast %jit3A_1056 : i32 to vector<16xi32>
        %broadcast_in_dim3A_1059 = vector.broadcast %jit3A_1057 : i32 to vector<16xi32>
        %select_n3A_1060 = arith.select %and3A_1055, %broadcast_in_dim3A_1058, %broadcast_in_dim3A_1059 : vector<16xi1>, vector<16xi32>
        %add3A_1061 = arith.addi %add3A_1032, %select_n3A_1060 : vector<16xi32>
        %get3A_1062 = arith.constant 0 : i32
        %get3A_1063 = arith.constant 35 : i32
        %get3A_1064 = arith.index_cast %get3A_1062 : i32 to index
        %get3A_1065 = arith.index_cast %get3A_1063 : i32 to index
        %get3A_1066 = arith.index_cast %mul3A_52 : i32 to index
        %get3A_1067 = tpu.vector_load %arg9[%get3A_1064, %get3A_1065, %get3A_1066] {strides = array<i32>} : memref<1x64x512xi32, #tpu.memory_space<vmem>>, vector<16xi32>,
        %get3A_1068 = arith.constant 0 : i32
        %get3A_1069 = arith.constant 35 : i32
        %get3A_1070 = arith.index_cast %get3A_1068 : i32 to index
        %get3A_1071 = arith.index_cast %get3A_1069 : i32 to index
        %get3A_1072 = arith.index_cast %mul3A_52 : i32 to index
        %get3A_1073 = tpu.vector_load %arg10[%get3A_1070, %get3A_1071, %get3A_1072] {strides = array<i32>} : memref<1x64x512xf32, #tpu.memory_space<vmem>>, vector<16xf32>,
        %shift_right_logical3A_1074 = arith.constant 3 : i32
        %shift_right_logical3A_1075 = vector.broadcast %shift_right_logical3A_1074 : i32 to vector<16xi32>
        %shift_right_logical3A_1076 = arith.shrui %get3A_1067, %shift_right_logical3A_1075 : vector<16xi32>
        %gather3A_1077 = tpu.vector_load_idx %arg8[%shift_right_logical3A_1076] : memref<2048xi32, #tpu.memory_space<vmem>>[vector<16xi32>], vector<16xi32>,
        %gt3A_1078 = arith.constant 5.000000e-01 : f32
        %gt3A_1079 = vector.broadcast %gt3A_1078 : f32 to vector<16xf32>
        %gt3A_1080 = arith.cmpf ogt, %get3A_1073, %gt3A_1079 : vector<16xf32>
        %gt3A_1081 = arith.constant 0 : i32
        %gt3A_1082 = vector.broadcast %gt3A_1081 : i32 to vector<16xi32>
        %gt3A_1083 = arith.cmpi sgt, %gather3A_1077, %gt3A_1082 : vector<16xi32>
        %and3A_1084 = arith.andi %gt3A_1080, %gt3A_1083 : vector<16xi1>
        %jit3A_1085 = arith.constant 1 : i32
        %jit3A_1086 = arith.constant 0 : i32
        %broadcast_in_dim3A_1087 = vector.broadcast %jit3A_1085 : i32 to vector<16xi32>
        %broadcast_in_dim3A_1088 = vector.broadcast %jit3A_1086 : i32 to vector<16xi32>
        %select_n3A_1089 = arith.select %and3A_1084, %broadcast_in_dim3A_1087, %broadcast_in_dim3A_1088 : vector<16xi1>, vector<16xi32>
        %add3A_1090 = arith.addi %add3A_1061, %select_n3A_1089 : vector<16xi32>
        %get3A_1091 = arith.constant 0 : i32
        %get3A_1092 = arith.constant 36 : i32
        %get3A_1093 = arith.index_cast %get3A_1091 : i32 to index
        %get3A_1094 = arith.index_cast %get3A_1092 : i32 to index
        %get3A_1095 = arith.index_cast %mul3A_52 : i32 to index
        %get3A_1096 = tpu.vector_load %arg9[%get3A_1093, %get3A_1094, %get3A_1095] {strides = array<i32>} : memref<1x64x512xi32, #tpu.memory_space<vmem>>, vector<16xi32>,
        %get3A_1097 = arith.constant 0 : i32
        %get3A_1098 = arith.constant 36 : i32
        %get3A_1099 = arith.index_cast %get3A_1097 : i32 to index
        %get3A_1100 = arith.index_cast %get3A_1098 : i32 to index
        %get3A_1101 = arith.index_cast %mul3A_52 : i32 to index
        %get3A_1102 = tpu.vector_load %arg10[%get3A_1099, %get3A_1100, %get3A_1101] {strides = array<i32>} : memref<1x64x512xf32, #tpu.memory_space<vmem>>, vector<16xf32>,
        %shift_right_logical3A_1103 = arith.constant 3 : i32
        %shift_right_logical3A_1104 = vector.broadcast %shift_right_logical3A_1103 : i32 to vector<16xi32>
        %shift_right_logical3A_1105 = arith.shrui %get3A_1096, %shift_right_logical3A_1104 : vector<16xi32>
        %gather3A_1106 = tpu.vector_load_idx %arg8[%shift_right_logical3A_1105] : memref<2048xi32, #tpu.memory_space<vmem>>[vector<16xi32>], vector<16xi32>,
        %gt3A_1107 = arith.constant 5.000000e-01 : f32
        %gt3A_1108 = vector.broadcast %gt3A_1107 : f32 to vector<16xf32>
        %gt3A_1109 = arith.cmpf ogt, %get3A_1102, %gt3A_1108 : vector<16xf32>
        %gt3A_1110 = arith.constant 0 : i32
        %gt3A_1111 = vector.broadcast %gt3A_1110 : i32 to vector<16xi32>
        %gt3A_1112 = arith.cmpi sgt, %gather3A_1106, %gt3A_1111 : vector<16xi32>
        %and3A_1113 = arith.andi %gt3A_1109, %gt3A_1112 : vector<16xi1>
        %jit3A_1114 = arith.constant 1 : i32
        %jit3A_1115 = arith.constant 0 : i32
        %broadcast_in_dim3A_1116 = vector.broadcast %jit3A_1114 : i32 to vector<16xi32>
        %broadcast_in_dim3A_1117 = vector.broadcast %jit3A_1115 : i32 to vector<16xi32>
        %select_n3A_1118 = arith.select %and3A_1113, %broadcast_in_dim3A_1116, %broadcast_in_dim3A_1117 : vector<16xi1>, vector<16xi32>
        %add3A_1119 = arith.addi %add3A_1090, %select_n3A_1118 : vector<16xi32>
        %get3A_1120 = arith.constant 0 : i32
        %get3A_1121 = arith.constant 37 : i32
        %get3A_1122 = arith.index_cast %get3A_1120 : i32 to index
        %get3A_1123 = arith.index_cast %get3A_1121 : i32 to index
        %get3A_1124 = arith.index_cast %mul3A_52 : i32 to index
        %get3A_1125 = tpu.vector_load %arg9[%get3A_1122, %get3A_1123, %get3A_1124] {strides = array<i32>} : memref<1x64x512xi32, #tpu.memory_space<vmem>>, vector<16xi32>,
        %get3A_1126 = arith.constant 0 : i32
        %get3A_1127 = arith.constant 37 : i32
        %get3A_1128 = arith.index_cast %get3A_1126 : i32 to index
        %get3A_1129 = arith.index_cast %get3A_1127 : i32 to index
        %get3A_1130 = arith.index_cast %mul3A_52 : i32 to index
        %get3A_1131 = tpu.vector_load %arg10[%get3A_1128, %get3A_1129, %get3A_1130] {strides = array<i32>} : memref<1x64x512xf32, #tpu.memory_space<vmem>>, vector<16xf32>,
        %shift_right_logical3A_1132 = arith.constant 3 : i32
        %shift_right_logical3A_1133 = vector.broadcast %shift_right_logical3A_1132 : i32 to vector<16xi32>
        %shift_right_logical3A_1134 = arith.shrui %get3A_1125, %shift_right_logical3A_1133 : vector<16xi32>
        %gather3A_1135 = tpu.vector_load_idx %arg8[%shift_right_logical3A_1134] : memref<2048xi32, #tpu.memory_space<vmem>>[vector<16xi32>], vector<16xi32>,
        %gt3A_1136 = arith.constant 5.000000e-01 : f32
        %gt3A_1137 = vector.broadcast %gt3A_1136 : f32 to vector<16xf32>
        %gt3A_1138 = arith.cmpf ogt, %get3A_1131, %gt3A_1137 : vector<16xf32>
        %gt3A_1139 = arith.constant 0 : i32
        %gt3A_1140 = vector.broadcast %gt3A_1139 : i32 to vector<16xi32>
        %gt3A_1141 = arith.cmpi sgt, %gather3A_1135, %gt3A_1140 : vector<16xi32>
        %and3A_1142 = arith.andi %gt3A_1138, %gt3A_1141 : vector<16xi1>
        %jit3A_1143 = arith.constant 1 : i32
        %jit3A_1144 = arith.constant 0 : i32
        %broadcast_in_dim3A_1145 = vector.broadcast %jit3A_1143 : i32 to vector<16xi32>
        %broadcast_in_dim3A_1146 = vector.broadcast %jit3A_1144 : i32 to vector<16xi32>
        %select_n3A_1147 = arith.select %and3A_1142, %broadcast_in_dim3A_1145, %broadcast_in_dim3A_1146 : vector<16xi1>, vector<16xi32>
        %add3A_1148 = arith.addi %add3A_1119, %select_n3A_1147 : vector<16xi32>
        %get3A_1149 = arith.constant 0 : i32
        %get3A_1150 = arith.constant 38 : i32
        %get3A_1151 = arith.index_cast %get3A_1149 : i32 to index
        %get3A_1152 = arith.index_cast %get3A_1150 : i32 to index
        %get3A_1153 = arith.index_cast %mul3A_52 : i32 to index
        %get3A_1154 = tpu.vector_load %arg9[%get3A_1151, %get3A_1152, %get3A_1153] {strides = array<i32>} : memref<1x64x512xi32, #tpu.memory_space<vmem>>, vector<16xi32>,
        %get3A_1155 = arith.constant 0 : i32
        %get3A_1156 = arith.constant 38 : i32
        %get3A_1157 = arith.index_cast %get3A_1155 : i32 to index
        %get3A_1158 = arith.index_cast %get3A_1156 : i32 to index
        %get3A_1159 = arith.index_cast %mul3A_52 : i32 to index
        %get3A_1160 = tpu.vector_load %arg10[%get3A_1157, %get3A_1158, %get3A_1159] {strides = array<i32>} : memref<1x64x512xf32, #tpu.memory_space<vmem>>, vector<16xf32>,
        %shift_right_logical3A_1161 = arith.constant 3 : i32
        %shift_right_logical3A_1162 = vector.broadcast %shift_right_logical3A_1161 : i32 to vector<16xi32>
        %shift_right_logical3A_1163 = arith.shrui %get3A_1154, %shift_right_logical3A_1162 : vector<16xi32>
        %gather3A_1164 = tpu.vector_load_idx %arg8[%shift_right_logical3A_1163] : memref<2048xi32, #tpu.memory_space<vmem>>[vector<16xi32>], vector<16xi32>,
        %gt3A_1165 = arith.constant 5.000000e-01 : f32
        %gt3A_1166 = vector.broadcast %gt3A_1165 : f32 to vector<16xf32>
        %gt3A_1167 = arith.cmpf ogt, %get3A_1160, %gt3A_1166 : vector<16xf32>
        %gt3A_1168 = arith.constant 0 : i32
        %gt3A_1169 = vector.broadcast %gt3A_1168 : i32 to vector<16xi32>
        %gt3A_1170 = arith.cmpi sgt, %gather3A_1164, %gt3A_1169 : vector<16xi32>
        %and3A_1171 = arith.andi %gt3A_1167, %gt3A_1170 : vector<16xi1>
        %jit3A_1172 = arith.constant 1 : i32
        %jit3A_1173 = arith.constant 0 : i32
        %broadcast_in_dim3A_1174 = vector.broadcast %jit3A_1172 : i32 to vector<16xi32>
        %broadcast_in_dim3A_1175 = vector.broadcast %jit3A_1173 : i32 to vector<16xi32>
        %select_n3A_1176 = arith.select %and3A_1171, %broadcast_in_dim3A_1174, %broadcast_in_dim3A_1175 : vector<16xi1>, vector<16xi32>
        %add3A_1177 = arith.addi %add3A_1148, %select_n3A_1176 : vector<16xi32>
        %get3A_1178 = arith.constant 0 : i32
        %get3A_1179 = arith.constant 39 : i32
        %get3A_1180 = arith.index_cast %get3A_1178 : i32 to index
        %get3A_1181 = arith.index_cast %get3A_1179 : i32 to index
        %get3A_1182 = arith.index_cast %mul3A_52 : i32 to index
        %get3A_1183 = tpu.vector_load %arg9[%get3A_1180, %get3A_1181, %get3A_1182] {strides = array<i32>} : memref<1x64x512xi32, #tpu.memory_space<vmem>>, vector<16xi32>,
        %get3A_1184 = arith.constant 0 : i32
        %get3A_1185 = arith.constant 39 : i32
        %get3A_1186 = arith.index_cast %get3A_1184 : i32 to index
        %get3A_1187 = arith.index_cast %get3A_1185 : i32 to index
        %get3A_1188 = arith.index_cast %mul3A_52 : i32 to index
        %get3A_1189 = tpu.vector_load %arg10[%get3A_1186, %get3A_1187, %get3A_1188] {strides = array<i32>} : memref<1x64x512xf32, #tpu.memory_space<vmem>>, vector<16xf32>,
        %shift_right_logical3A_1190 = arith.constant 3 : i32
        %shift_right_logical3A_1191 = vector.broadcast %shift_right_logical3A_1190 : i32 to vector<16xi32>
        %shift_right_logical3A_1192 = arith.shrui %get3A_1183, %shift_right_logical3A_1191 : vector<16xi32>
        %gather3A_1193 = tpu.vector_load_idx %arg8[%shift_right_logical3A_1192] : memref<2048xi32, #tpu.memory_space<vmem>>[vector<16xi32>], vector<16xi32>,
        %gt3A_1194 = arith.constant 5.000000e-01 : f32
        %gt3A_1195 = vector.broadcast %gt3A_1194 : f32 to vector<16xf32>
        %gt3A_1196 = arith.cmpf ogt, %get3A_1189, %gt3A_1195 : vector<16xf32>
        %gt3A_1197 = arith.constant 0 : i32
        %gt3A_1198 = vector.broadcast %gt3A_1197 : i32 to vector<16xi32>
        %gt3A_1199 = arith.cmpi sgt, %gather3A_1193, %gt3A_1198 : vector<16xi32>
        %and3A_1200 = arith.andi %gt3A_1196, %gt3A_1199 : vector<16xi1>
        %jit3A_1201 = arith.constant 1 : i32
        %jit3A_1202 = arith.constant 0 : i32
        %broadcast_in_dim3A_1203 = vector.broadcast %jit3A_1201 : i32 to vector<16xi32>
        %broadcast_in_dim3A_1204 = vector.broadcast %jit3A_1202 : i32 to vector<16xi32>
        %select_n3A_1205 = arith.select %and3A_1200, %broadcast_in_dim3A_1203, %broadcast_in_dim3A_1204 : vector<16xi1>, vector<16xi32>
        %add3A_1206 = arith.addi %add3A_1177, %select_n3A_1205 : vector<16xi32>
        %get3A_1207 = arith.constant 0 : i32
        %get3A_1208 = arith.constant 40 : i32
        %get3A_1209 = arith.index_cast %get3A_1207 : i32 to index
        %get3A_1210 = arith.index_cast %get3A_1208 : i32 to index
        %get3A_1211 = arith.index_cast %mul3A_52 : i32 to index
        %get3A_1212 = tpu.vector_load %arg9[%get3A_1209, %get3A_1210, %get3A_1211] {strides = array<i32>} : memref<1x64x512xi32, #tpu.memory_space<vmem>>, vector<16xi32>,
        %get3A_1213 = arith.constant 0 : i32
        %get3A_1214 = arith.constant 40 : i32
        %get3A_1215 = arith.index_cast %get3A_1213 : i32 to index
        %get3A_1216 = arith.index_cast %get3A_1214 : i32 to index
        %get3A_1217 = arith.index_cast %mul3A_52 : i32 to index
        %get3A_1218 = tpu.vector_load %arg10[%get3A_1215, %get3A_1216, %get3A_1217] {strides = array<i32>} : memref<1x64x512xf32, #tpu.memory_space<vmem>>, vector<16xf32>,
        %shift_right_logical3A_1219 = arith.constant 3 : i32
        %shift_right_logical3A_1220 = vector.broadcast %shift_right_logical3A_1219 : i32 to vector<16xi32>
        %shift_right_logical3A_1221 = arith.shrui %get3A_1212, %shift_right_logical3A_1220 : vector<16xi32>
        %gather3A_1222 = tpu.vector_load_idx %arg8[%shift_right_logical3A_1221] : memref<2048xi32, #tpu.memory_space<vmem>>[vector<16xi32>], vector<16xi32>,
        %gt3A_1223 = arith.constant 5.000000e-01 : f32
        %gt3A_1224 = vector.broadcast %gt3A_1223 : f32 to vector<16xf32>
        %gt3A_1225 = arith.cmpf ogt, %get3A_1218, %gt3A_1224 : vector<16xf32>
        %gt3A_1226 = arith.constant 0 : i32
        %gt3A_1227 = vector.broadcast %gt3A_1226 : i32 to vector<16xi32>
        %gt3A_1228 = arith.cmpi sgt, %gather3A_1222, %gt3A_1227 : vector<16xi32>
        %and3A_1229 = arith.andi %gt3A_1225, %gt3A_1228 : vector<16xi1>
        %jit3A_1230 = arith.constant 1 : i32
        %jit3A_1231 = arith.constant 0 : i32
        %broadcast_in_dim3A_1232 = vector.broadcast %jit3A_1230 : i32 to vector<16xi32>
        %broadcast_in_dim3A_1233 = vector.broadcast %jit3A_1231 : i32 to vector<16xi32>
        %select_n3A_1234 = arith.select %and3A_1229, %broadcast_in_dim3A_1232, %broadcast_in_dim3A_1233 : vector<16xi1>, vector<16xi32>
        %add3A_1235 = arith.addi %add3A_1206, %select_n3A_1234 : vector<16xi32>
        %get3A_1236 = arith.constant 0 : i32
        %get3A_1237 = arith.constant 41 : i32
        %get3A_1238 = arith.index_cast %get3A_1236 : i32 to index
        %get3A_1239 = arith.index_cast %get3A_1237 : i32 to index
        %get3A_1240 = arith.index_cast %mul3A_52 : i32 to index
        %get3A_1241 = tpu.vector_load %arg9[%get3A_1238, %get3A_1239, %get3A_1240] {strides = array<i32>} : memref<1x64x512xi32, #tpu.memory_space<vmem>>, vector<16xi32>,
        %get3A_1242 = arith.constant 0 : i32
        %get3A_1243 = arith.constant 41 : i32
        %get3A_1244 = arith.index_cast %get3A_1242 : i32 to index
        %get3A_1245 = arith.index_cast %get3A_1243 : i32 to index
        %get3A_1246 = arith.index_cast %mul3A_52 : i32 to index
        %get3A_1247 = tpu.vector_load %arg10[%get3A_1244, %get3A_1245, %get3A_1246] {strides = array<i32>} : memref<1x64x512xf32, #tpu.memory_space<vmem>>, vector<16xf32>,
        %shift_right_logical3A_1248 = arith.constant 3 : i32
        %shift_right_logical3A_1249 = vector.broadcast %shift_right_logical3A_1248 : i32 to vector<16xi32>
        %shift_right_logical3A_1250 = arith.shrui %get3A_1241, %shift_right_logical3A_1249 : vector<16xi32>
        %gather3A_1251 = tpu.vector_load_idx %arg8[%shift_right_logical3A_1250] : memref<2048xi32, #tpu.memory_space<vmem>>[vector<16xi32>], vector<16xi32>,
        %gt3A_1252 = arith.constant 5.000000e-01 : f32
        %gt3A_1253 = vector.broadcast %gt3A_1252 : f32 to vector<16xf32>
        %gt3A_1254 = arith.cmpf ogt, %get3A_1247, %gt3A_1253 : vector<16xf32>
        %gt3A_1255 = arith.constant 0 : i32
        %gt3A_1256 = vector.broadcast %gt3A_1255 : i32 to vector<16xi32>
        %gt3A_1257 = arith.cmpi sgt, %gather3A_1251, %gt3A_1256 : vector<16xi32>
        %and3A_1258 = arith.andi %gt3A_1254, %gt3A_1257 : vector<16xi1>
        %jit3A_1259 = arith.constant 1 : i32
        %jit3A_1260 = arith.constant 0 : i32
        %broadcast_in_dim3A_1261 = vector.broadcast %jit3A_1259 : i32 to vector<16xi32>
        %broadcast_in_dim3A_1262 = vector.broadcast %jit3A_1260 : i32 to vector<16xi32>
        %select_n3A_1263 = arith.select %and3A_1258, %broadcast_in_dim3A_1261, %broadcast_in_dim3A_1262 : vector<16xi1>, vector<16xi32>
        %add3A_1264 = arith.addi %add3A_1235, %select_n3A_1263 : vector<16xi32>
        %get3A_1265 = arith.constant 0 : i32
        %get3A_1266 = arith.constant 42 : i32
        %get3A_1267 = arith.index_cast %get3A_1265 : i32 to index
        %get3A_1268 = arith.index_cast %get3A_1266 : i32 to index
        %get3A_1269 = arith.index_cast %mul3A_52 : i32 to index
        %get3A_1270 = tpu.vector_load %arg9[%get3A_1267, %get3A_1268, %get3A_1269] {strides = array<i32>} : memref<1x64x512xi32, #tpu.memory_space<vmem>>, vector<16xi32>,
        %get3A_1271 = arith.constant 0 : i32
        %get3A_1272 = arith.constant 42 : i32
        %get3A_1273 = arith.index_cast %get3A_1271 : i32 to index
        %get3A_1274 = arith.index_cast %get3A_1272 : i32 to index
        %get3A_1275 = arith.index_cast %mul3A_52 : i32 to index
        %get3A_1276 = tpu.vector_load %arg10[%get3A_1273, %get3A_1274, %get3A_1275] {strides = array<i32>} : memref<1x64x512xf32, #tpu.memory_space<vmem>>, vector<16xf32>,
        %shift_right_logical3A_1277 = arith.constant 3 : i32
        %shift_right_logical3A_1278 = vector.broadcast %shift_right_logical3A_1277 : i32 to vector<16xi32>
        %shift_right_logical3A_1279 = arith.shrui %get3A_1270, %shift_right_logical3A_1278 : vector<16xi32>
        %gather3A_1280 = tpu.vector_load_idx %arg8[%shift_right_logical3A_1279] : memref<2048xi32, #tpu.memory_space<vmem>>[vector<16xi32>], vector<16xi32>,
        %gt3A_1281 = arith.constant 5.000000e-01 : f32
        %gt3A_1282 = vector.broadcast %gt3A_1281 : f32 to vector<16xf32>
        %gt3A_1283 = arith.cmpf ogt, %get3A_1276, %gt3A_1282 : vector<16xf32>
        %gt3A_1284 = arith.constant 0 : i32
        %gt3A_1285 = vector.broadcast %gt3A_1284 : i32 to vector<16xi32>
        %gt3A_1286 = arith.cmpi sgt, %gather3A_1280, %gt3A_1285 : vector<16xi32>
        %and3A_1287 = arith.andi %gt3A_1283, %gt3A_1286 : vector<16xi1>
        %jit3A_1288 = arith.constant 1 : i32
        %jit3A_1289 = arith.constant 0 : i32
        %broadcast_in_dim3A_1290 = vector.broadcast %jit3A_1288 : i32 to vector<16xi32>
        %broadcast_in_dim3A_1291 = vector.broadcast %jit3A_1289 : i32 to vector<16xi32>
        %select_n3A_1292 = arith.select %and3A_1287, %broadcast_in_dim3A_1290, %broadcast_in_dim3A_1291 : vector<16xi1>, vector<16xi32>
        %add3A_1293 = arith.addi %add3A_1264, %select_n3A_1292 : vector<16xi32>
        %get3A_1294 = arith.constant 0 : i32
        %get3A_1295 = arith.constant 43 : i32
        %get3A_1296 = arith.index_cast %get3A_1294 : i32 to index
        %get3A_1297 = arith.index_cast %get3A_1295 : i32 to index
        %get3A_1298 = arith.index_cast %mul3A_52 : i32 to index
        %get3A_1299 = tpu.vector_load %arg9[%get3A_1296, %get3A_1297, %get3A_1298] {strides = array<i32>} : memref<1x64x512xi32, #tpu.memory_space<vmem>>, vector<16xi32>,
        %get3A_1300 = arith.constant 0 : i32
        %get3A_1301 = arith.constant 43 : i32
        %get3A_1302 = arith.index_cast %get3A_1300 : i32 to index
        %get3A_1303 = arith.index_cast %get3A_1301 : i32 to index
        %get3A_1304 = arith.index_cast %mul3A_52 : i32 to index
        %get3A_1305 = tpu.vector_load %arg10[%get3A_1302, %get3A_1303, %get3A_1304] {strides = array<i32>} : memref<1x64x512xf32, #tpu.memory_space<vmem>>, vector<16xf32>,
        %shift_right_logical3A_1306 = arith.constant 3 : i32
        %shift_right_logical3A_1307 = vector.broadcast %shift_right_logical3A_1306 : i32 to vector<16xi32>
        %shift_right_logical3A_1308 = arith.shrui %get3A_1299, %shift_right_logical3A_1307 : vector<16xi32>
        %gather3A_1309 = tpu.vector_load_idx %arg8[%shift_right_logical3A_1308] : memref<2048xi32, #tpu.memory_space<vmem>>[vector<16xi32>], vector<16xi32>,
        %gt3A_1310 = arith.constant 5.000000e-01 : f32
        %gt3A_1311 = vector.broadcast %gt3A_1310 : f32 to vector<16xf32>
        %gt3A_1312 = arith.cmpf ogt, %get3A_1305, %gt3A_1311 : vector<16xf32>
        %gt3A_1313 = arith.constant 0 : i32
        %gt3A_1314 = vector.broadcast %gt3A_1313 : i32 to vector<16xi32>
        %gt3A_1315 = arith.cmpi sgt, %gather3A_1309, %gt3A_1314 : vector<16xi32>
        %and3A_1316 = arith.andi %gt3A_1312, %gt3A_1315 : vector<16xi1>
        %jit3A_1317 = arith.constant 1 : i32
        %jit3A_1318 = arith.constant 0 : i32
        %broadcast_in_dim3A_1319 = vector.broadcast %jit3A_1317 : i32 to vector<16xi32>
        %broadcast_in_dim3A_1320 = vector.broadcast %jit3A_1318 : i32 to vector<16xi32>
        %select_n3A_1321 = arith.select %and3A_1316, %broadcast_in_dim3A_1319, %broadcast_in_dim3A_1320 : vector<16xi1>, vector<16xi32>
        %add3A_1322 = arith.addi %add3A_1293, %select_n3A_1321 : vector<16xi32>
        %get3A_1323 = arith.constant 0 : i32
        %get3A_1324 = arith.constant 44 : i32
        %get3A_1325 = arith.index_cast %get3A_1323 : i32 to index
        %get3A_1326 = arith.index_cast %get3A_1324 : i32 to index
        %get3A_1327 = arith.index_cast %mul3A_52 : i32 to index
        %get3A_1328 = tpu.vector_load %arg9[%get3A_1325, %get3A_1326, %get3A_1327] {strides = array<i32>} : memref<1x64x512xi32, #tpu.memory_space<vmem>>, vector<16xi32>,
        %get3A_1329 = arith.constant 0 : i32
        %get3A_1330 = arith.constant 44 : i32
        %get3A_1331 = arith.index_cast %get3A_1329 : i32 to index
        %get3A_1332 = arith.index_cast %get3A_1330 : i32 to index
        %get3A_1333 = arith.index_cast %mul3A_52 : i32 to index
        %get3A_1334 = tpu.vector_load %arg10[%get3A_1331, %get3A_1332, %get3A_1333] {strides = array<i32>} : memref<1x64x512xf32, #tpu.memory_space<vmem>>, vector<16xf32>,
        %shift_right_logical3A_1335 = arith.constant 3 : i32
        %shift_right_logical3A_1336 = vector.broadcast %shift_right_logical3A_1335 : i32 to vector<16xi32>
        %shift_right_logical3A_1337 = arith.shrui %get3A_1328, %shift_right_logical3A_1336 : vector<16xi32>
        %gather3A_1338 = tpu.vector_load_idx %arg8[%shift_right_logical3A_1337] : memref<2048xi32, #tpu.memory_space<vmem>>[vector<16xi32>], vector<16xi32>,
        %gt3A_1339 = arith.constant 5.000000e-01 : f32
        %gt3A_1340 = vector.broadcast %gt3A_1339 : f32 to vector<16xf32>
        %gt3A_1341 = arith.cmpf ogt, %get3A_1334, %gt3A_1340 : vector<16xf32>
        %gt3A_1342 = arith.constant 0 : i32
        %gt3A_1343 = vector.broadcast %gt3A_1342 : i32 to vector<16xi32>
        %gt3A_1344 = arith.cmpi sgt, %gather3A_1338, %gt3A_1343 : vector<16xi32>
        %and3A_1345 = arith.andi %gt3A_1341, %gt3A_1344 : vector<16xi1>
        %jit3A_1346 = arith.constant 1 : i32
        %jit3A_1347 = arith.constant 0 : i32
        %broadcast_in_dim3A_1348 = vector.broadcast %jit3A_1346 : i32 to vector<16xi32>
        %broadcast_in_dim3A_1349 = vector.broadcast %jit3A_1347 : i32 to vector<16xi32>
        %select_n3A_1350 = arith.select %and3A_1345, %broadcast_in_dim3A_1348, %broadcast_in_dim3A_1349 : vector<16xi1>, vector<16xi32>
        %add3A_1351 = arith.addi %add3A_1322, %select_n3A_1350 : vector<16xi32>
        %get3A_1352 = arith.constant 0 : i32
        %get3A_1353 = arith.constant 45 : i32
        %get3A_1354 = arith.index_cast %get3A_1352 : i32 to index
        %get3A_1355 = arith.index_cast %get3A_1353 : i32 to index
        %get3A_1356 = arith.index_cast %mul3A_52 : i32 to index
        %get3A_1357 = tpu.vector_load %arg9[%get3A_1354, %get3A_1355, %get3A_1356] {strides = array<i32>} : memref<1x64x512xi32, #tpu.memory_space<vmem>>, vector<16xi32>,
        %get3A_1358 = arith.constant 0 : i32
        %get3A_1359 = arith.constant 45 : i32
        %get3A_1360 = arith.index_cast %get3A_1358 : i32 to index
        %get3A_1361 = arith.index_cast %get3A_1359 : i32 to index
        %get3A_1362 = arith.index_cast %mul3A_52 : i32 to index
        %get3A_1363 = tpu.vector_load %arg10[%get3A_1360, %get3A_1361, %get3A_1362] {strides = array<i32>} : memref<1x64x512xf32, #tpu.memory_space<vmem>>, vector<16xf32>,
        %shift_right_logical3A_1364 = arith.constant 3 : i32
        %shift_right_logical3A_1365 = vector.broadcast %shift_right_logical3A_1364 : i32 to vector<16xi32>
        %shift_right_logical3A_1366 = arith.shrui %get3A_1357, %shift_right_logical3A_1365 : vector<16xi32>
        %gather3A_1367 = tpu.vector_load_idx %arg8[%shift_right_logical3A_1366] : memref<2048xi32, #tpu.memory_space<vmem>>[vector<16xi32>], vector<16xi32>,
        %gt3A_1368 = arith.constant 5.000000e-01 : f32
        %gt3A_1369 = vector.broadcast %gt3A_1368 : f32 to vector<16xf32>
        %gt3A_1370 = arith.cmpf ogt, %get3A_1363, %gt3A_1369 : vector<16xf32>
        %gt3A_1371 = arith.constant 0 : i32
        %gt3A_1372 = vector.broadcast %gt3A_1371 : i32 to vector<16xi32>
        %gt3A_1373 = arith.cmpi sgt, %gather3A_1367, %gt3A_1372 : vector<16xi32>
        %and3A_1374 = arith.andi %gt3A_1370, %gt3A_1373 : vector<16xi1>
        %jit3A_1375 = arith.constant 1 : i32
        %jit3A_1376 = arith.constant 0 : i32
        %broadcast_in_dim3A_1377 = vector.broadcast %jit3A_1375 : i32 to vector<16xi32>
        %broadcast_in_dim3A_1378 = vector.broadcast %jit3A_1376 : i32 to vector<16xi32>
        %select_n3A_1379 = arith.select %and3A_1374, %broadcast_in_dim3A_1377, %broadcast_in_dim3A_1378 : vector<16xi1>, vector<16xi32>
        %add3A_1380 = arith.addi %add3A_1351, %select_n3A_1379 : vector<16xi32>
        %get3A_1381 = arith.constant 0 : i32
        %get3A_1382 = arith.constant 46 : i32
        %get3A_1383 = arith.index_cast %get3A_1381 : i32 to index
        %get3A_1384 = arith.index_cast %get3A_1382 : i32 to index
        %get3A_1385 = arith.index_cast %mul3A_52 : i32 to index
        %get3A_1386 = tpu.vector_load %arg9[%get3A_1383, %get3A_1384, %get3A_1385] {strides = array<i32>} : memref<1x64x512xi32, #tpu.memory_space<vmem>>, vector<16xi32>,
        %get3A_1387 = arith.constant 0 : i32
        %get3A_1388 = arith.constant 46 : i32
        %get3A_1389 = arith.index_cast %get3A_1387 : i32 to index
        %get3A_1390 = arith.index_cast %get3A_1388 : i32 to index
        %get3A_1391 = arith.index_cast %mul3A_52 : i32 to index
        %get3A_1392 = tpu.vector_load %arg10[%get3A_1389, %get3A_1390, %get3A_1391] {strides = array<i32>} : memref<1x64x512xf32, #tpu.memory_space<vmem>>, vector<16xf32>,
        %shift_right_logical3A_1393 = arith.constant 3 : i32
        %shift_right_logical3A_1394 = vector.broadcast %shift_right_logical3A_1393 : i32 to vector<16xi32>
        %shift_right_logical3A_1395 = arith.shrui %get3A_1386, %shift_right_logical3A_1394 : vector<16xi32>
        %gather3A_1396 = tpu.vector_load_idx %arg8[%shift_right_logical3A_1395] : memref<2048xi32, #tpu.memory_space<vmem>>[vector<16xi32>], vector<16xi32>,
        %gt3A_1397 = arith.constant 5.000000e-01 : f32
        %gt3A_1398 = vector.broadcast %gt3A_1397 : f32 to vector<16xf32>
        %gt3A_1399 = arith.cmpf ogt, %get3A_1392, %gt3A_1398 : vector<16xf32>
        %gt3A_1400 = arith.constant 0 : i32
        %gt3A_1401 = vector.broadcast %gt3A_1400 : i32 to vector<16xi32>
        %gt3A_1402 = arith.cmpi sgt, %gather3A_1396, %gt3A_1401 : vector<16xi32>
        %and3A_1403 = arith.andi %gt3A_1399, %gt3A_1402 : vector<16xi1>
        %jit3A_1404 = arith.constant 1 : i32
        %jit3A_1405 = arith.constant 0 : i32
        %broadcast_in_dim3A_1406 = vector.broadcast %jit3A_1404 : i32 to vector<16xi32>
        %broadcast_in_dim3A_1407 = vector.broadcast %jit3A_1405 : i32 to vector<16xi32>
        %select_n3A_1408 = arith.select %and3A_1403, %broadcast_in_dim3A_1406, %broadcast_in_dim3A_1407 : vector<16xi1>, vector<16xi32>
        %add3A_1409 = arith.addi %add3A_1380, %select_n3A_1408 : vector<16xi32>
        %get3A_1410 = arith.constant 0 : i32
        %get3A_1411 = arith.constant 47 : i32
        %get3A_1412 = arith.index_cast %get3A_1410 : i32 to index
        %get3A_1413 = arith.index_cast %get3A_1411 : i32 to index
        %get3A_1414 = arith.index_cast %mul3A_52 : i32 to index
        %get3A_1415 = tpu.vector_load %arg9[%get3A_1412, %get3A_1413, %get3A_1414] {strides = array<i32>} : memref<1x64x512xi32, #tpu.memory_space<vmem>>, vector<16xi32>,
        %get3A_1416 = arith.constant 0 : i32
        %get3A_1417 = arith.constant 47 : i32
        %get3A_1418 = arith.index_cast %get3A_1416 : i32 to index
        %get3A_1419 = arith.index_cast %get3A_1417 : i32 to index
        %get3A_1420 = arith.index_cast %mul3A_52 : i32 to index
        %get3A_1421 = tpu.vector_load %arg10[%get3A_1418, %get3A_1419, %get3A_1420] {strides = array<i32>} : memref<1x64x512xf32, #tpu.memory_space<vmem>>, vector<16xf32>,
        %shift_right_logical3A_1422 = arith.constant 3 : i32
        %shift_right_logical3A_1423 = vector.broadcast %shift_right_logical3A_1422 : i32 to vector<16xi32>
        %shift_right_logical3A_1424 = arith.shrui %get3A_1415, %shift_right_logical3A_1423 : vector<16xi32>
        %gather3A_1425 = tpu.vector_load_idx %arg8[%shift_right_logical3A_1424] : memref<2048xi32, #tpu.memory_space<vmem>>[vector<16xi32>], vector<16xi32>,
        %gt3A_1426 = arith.constant 5.000000e-01 : f32
        %gt3A_1427 = vector.broadcast %gt3A_1426 : f32 to vector<16xf32>
        %gt3A_1428 = arith.cmpf ogt, %get3A_1421, %gt3A_1427 : vector<16xf32>
        %gt3A_1429 = arith.constant 0 : i32
        %gt3A_1430 = vector.broadcast %gt3A_1429 : i32 to vector<16xi32>
        %gt3A_1431 = arith.cmpi sgt, %gather3A_1425, %gt3A_1430 : vector<16xi32>
        %and3A_1432 = arith.andi %gt3A_1428, %gt3A_1431 : vector<16xi1>
        %jit3A_1433 = arith.constant 1 : i32
        %jit3A_1434 = arith.constant 0 : i32
        %broadcast_in_dim3A_1435 = vector.broadcast %jit3A_1433 : i32 to vector<16xi32>
        %broadcast_in_dim3A_1436 = vector.broadcast %jit3A_1434 : i32 to vector<16xi32>
        %select_n3A_1437 = arith.select %and3A_1432, %broadcast_in_dim3A_1435, %broadcast_in_dim3A_1436 : vector<16xi1>, vector<16xi32>
        %add3A_1438 = arith.addi %add3A_1409, %select_n3A_1437 : vector<16xi32>
        %get3A_1439 = arith.constant 0 : i32
        %get3A_1440 = arith.constant 48 : i32
        %get3A_1441 = arith.index_cast %get3A_1439 : i32 to index
        %get3A_1442 = arith.index_cast %get3A_1440 : i32 to index
        %get3A_1443 = arith.index_cast %mul3A_52 : i32 to index
        %get3A_1444 = tpu.vector_load %arg9[%get3A_1441, %get3A_1442, %get3A_1443] {strides = array<i32>} : memref<1x64x512xi32, #tpu.memory_space<vmem>>, vector<16xi32>,
        %get3A_1445 = arith.constant 0 : i32
        %get3A_1446 = arith.constant 48 : i32
        %get3A_1447 = arith.index_cast %get3A_1445 : i32 to index
        %get3A_1448 = arith.index_cast %get3A_1446 : i32 to index
        %get3A_1449 = arith.index_cast %mul3A_52 : i32 to index
        %get3A_1450 = tpu.vector_load %arg10[%get3A_1447, %get3A_1448, %get3A_1449] {strides = array<i32>} : memref<1x64x512xf32, #tpu.memory_space<vmem>>, vector<16xf32>,
        %shift_right_logical3A_1451 = arith.constant 3 : i32
        %shift_right_logical3A_1452 = vector.broadcast %shift_right_logical3A_1451 : i32 to vector<16xi32>
        %shift_right_logical3A_1453 = arith.shrui %get3A_1444, %shift_right_logical3A_1452 : vector<16xi32>
        %gather3A_1454 = tpu.vector_load_idx %arg8[%shift_right_logical3A_1453] : memref<2048xi32, #tpu.memory_space<vmem>>[vector<16xi32>], vector<16xi32>,
        %gt3A_1455 = arith.constant 5.000000e-01 : f32
        %gt3A_1456 = vector.broadcast %gt3A_1455 : f32 to vector<16xf32>
        %gt3A_1457 = arith.cmpf ogt, %get3A_1450, %gt3A_1456 : vector<16xf32>
        %gt3A_1458 = arith.constant 0 : i32
        %gt3A_1459 = vector.broadcast %gt3A_1458 : i32 to vector<16xi32>
        %gt3A_1460 = arith.cmpi sgt, %gather3A_1454, %gt3A_1459 : vector<16xi32>
        %and3A_1461 = arith.andi %gt3A_1457, %gt3A_1460 : vector<16xi1>
        %jit3A_1462 = arith.constant 1 : i32
        %jit3A_1463 = arith.constant 0 : i32
        %broadcast_in_dim3A_1464 = vector.broadcast %jit3A_1462 : i32 to vector<16xi32>
        %broadcast_in_dim3A_1465 = vector.broadcast %jit3A_1463 : i32 to vector<16xi32>
        %select_n3A_1466 = arith.select %and3A_1461, %broadcast_in_dim3A_1464, %broadcast_in_dim3A_1465 : vector<16xi1>, vector<16xi32>
        %add3A_1467 = arith.addi %add3A_1438, %select_n3A_1466 : vector<16xi32>
        %get3A_1468 = arith.constant 0 : i32
        %get3A_1469 = arith.constant 49 : i32
        %get3A_1470 = arith.index_cast %get3A_1468 : i32 to index
        %get3A_1471 = arith.index_cast %get3A_1469 : i32 to index
        %get3A_1472 = arith.index_cast %mul3A_52 : i32 to index
        %get3A_1473 = tpu.vector_load %arg9[%get3A_1470, %get3A_1471, %get3A_1472] {strides = array<i32>} : memref<1x64x512xi32, #tpu.memory_space<vmem>>, vector<16xi32>,
        %get3A_1474 = arith.constant 0 : i32
        %get3A_1475 = arith.constant 49 : i32
        %get3A_1476 = arith.index_cast %get3A_1474 : i32 to index
        %get3A_1477 = arith.index_cast %get3A_1475 : i32 to index
        %get3A_1478 = arith.index_cast %mul3A_52 : i32 to index
        %get3A_1479 = tpu.vector_load %arg10[%get3A_1476, %get3A_1477, %get3A_1478] {strides = array<i32>} : memref<1x64x512xf32, #tpu.memory_space<vmem>>, vector<16xf32>,
        %shift_right_logical3A_1480 = arith.constant 3 : i32
        %shift_right_logical3A_1481 = vector.broadcast %shift_right_logical3A_1480 : i32 to vector<16xi32>
        %shift_right_logical3A_1482 = arith.shrui %get3A_1473, %shift_right_logical3A_1481 : vector<16xi32>
        %gather3A_1483 = tpu.vector_load_idx %arg8[%shift_right_logical3A_1482] : memref<2048xi32, #tpu.memory_space<vmem>>[vector<16xi32>], vector<16xi32>,
        %gt3A_1484 = arith.constant 5.000000e-01 : f32
        %gt3A_1485 = vector.broadcast %gt3A_1484 : f32 to vector<16xf32>
        %gt3A_1486 = arith.cmpf ogt, %get3A_1479, %gt3A_1485 : vector<16xf32>
        %gt3A_1487 = arith.constant 0 : i32
        %gt3A_1488 = vector.broadcast %gt3A_1487 : i32 to vector<16xi32>
        %gt3A_1489 = arith.cmpi sgt, %gather3A_1483, %gt3A_1488 : vector<16xi32>
        %and3A_1490 = arith.andi %gt3A_1486, %gt3A_1489 : vector<16xi1>
        %jit3A_1491 = arith.constant 1 : i32
        %jit3A_1492 = arith.constant 0 : i32
        %broadcast_in_dim3A_1493 = vector.broadcast %jit3A_1491 : i32 to vector<16xi32>
        %broadcast_in_dim3A_1494 = vector.broadcast %jit3A_1492 : i32 to vector<16xi32>
        %select_n3A_1495 = arith.select %and3A_1490, %broadcast_in_dim3A_1493, %broadcast_in_dim3A_1494 : vector<16xi1>, vector<16xi32>
        %add3A_1496 = arith.addi %add3A_1467, %select_n3A_1495 : vector<16xi32>
        %get3A_1497 = arith.constant 0 : i32
        %get3A_1498 = arith.constant 50 : i32
        %get3A_1499 = arith.index_cast %get3A_1497 : i32 to index
        %get3A_1500 = arith.index_cast %get3A_1498 : i32 to index
        %get3A_1501 = arith.index_cast %mul3A_52 : i32 to index
        %get3A_1502 = tpu.vector_load %arg9[%get3A_1499, %get3A_1500, %get3A_1501] {strides = array<i32>} : memref<1x64x512xi32, #tpu.memory_space<vmem>>, vector<16xi32>,
        %get3A_1503 = arith.constant 0 : i32
        %get3A_1504 = arith.constant 50 : i32
        %get3A_1505 = arith.index_cast %get3A_1503 : i32 to index
        %get3A_1506 = arith.index_cast %get3A_1504 : i32 to index
        %get3A_1507 = arith.index_cast %mul3A_52 : i32 to index
        %get3A_1508 = tpu.vector_load %arg10[%get3A_1505, %get3A_1506, %get3A_1507] {strides = array<i32>} : memref<1x64x512xf32, #tpu.memory_space<vmem>>, vector<16xf32>,
        %shift_right_logical3A_1509 = arith.constant 3 : i32
        %shift_right_logical3A_1510 = vector.broadcast %shift_right_logical3A_1509 : i32 to vector<16xi32>
        %shift_right_logical3A_1511 = arith.shrui %get3A_1502, %shift_right_logical3A_1510 : vector<16xi32>
        %gather3A_1512 = tpu.vector_load_idx %arg8[%shift_right_logical3A_1511] : memref<2048xi32, #tpu.memory_space<vmem>>[vector<16xi32>], vector<16xi32>,
        %gt3A_1513 = arith.constant 5.000000e-01 : f32
        %gt3A_1514 = vector.broadcast %gt3A_1513 : f32 to vector<16xf32>
        %gt3A_1515 = arith.cmpf ogt, %get3A_1508, %gt3A_1514 : vector<16xf32>
        %gt3A_1516 = arith.constant 0 : i32
        %gt3A_1517 = vector.broadcast %gt3A_1516 : i32 to vector<16xi32>
        %gt3A_1518 = arith.cmpi sgt, %gather3A_1512, %gt3A_1517 : vector<16xi32>
        %and3A_1519 = arith.andi %gt3A_1515, %gt3A_1518 : vector<16xi1>
        %jit3A_1520 = arith.constant 1 : i32
        %jit3A_1521 = arith.constant 0 : i32
        %broadcast_in_dim3A_1522 = vector.broadcast %jit3A_1520 : i32 to vector<16xi32>
        %broadcast_in_dim3A_1523 = vector.broadcast %jit3A_1521 : i32 to vector<16xi32>
        %select_n3A_1524 = arith.select %and3A_1519, %broadcast_in_dim3A_1522, %broadcast_in_dim3A_1523 : vector<16xi1>, vector<16xi32>
        %add3A_1525 = arith.addi %add3A_1496, %select_n3A_1524 : vector<16xi32>
        %get3A_1526 = arith.constant 0 : i32
        %get3A_1527 = arith.constant 51 : i32
        %get3A_1528 = arith.index_cast %get3A_1526 : i32 to index
        %get3A_1529 = arith.index_cast %get3A_1527 : i32 to index
        %get3A_1530 = arith.index_cast %mul3A_52 : i32 to index
        %get3A_1531 = tpu.vector_load %arg9[%get3A_1528, %get3A_1529, %get3A_1530] {strides = array<i32>} : memref<1x64x512xi32, #tpu.memory_space<vmem>>, vector<16xi32>,
        %get3A_1532 = arith.constant 0 : i32
        %get3A_1533 = arith.constant 51 : i32
        %get3A_1534 = arith.index_cast %get3A_1532 : i32 to index
        %get3A_1535 = arith.index_cast %get3A_1533 : i32 to index
        %get3A_1536 = arith.index_cast %mul3A_52 : i32 to index
        %get3A_1537 = tpu.vector_load %arg10[%get3A_1534, %get3A_1535, %get3A_1536] {strides = array<i32>} : memref<1x64x512xf32, #tpu.memory_space<vmem>>, vector<16xf32>,
        %shift_right_logical3A_1538 = arith.constant 3 : i32
        %shift_right_logical3A_1539 = vector.broadcast %shift_right_logical3A_1538 : i32 to vector<16xi32>
        %shift_right_logical3A_1540 = arith.shrui %get3A_1531, %shift_right_logical3A_1539 : vector<16xi32>
        %gather3A_1541 = tpu.vector_load_idx %arg8[%shift_right_logical3A_1540] : memref<2048xi32, #tpu.memory_space<vmem>>[vector<16xi32>], vector<16xi32>,
        %gt3A_1542 = arith.constant 5.000000e-01 : f32
        %gt3A_1543 = vector.broadcast %gt3A_1542 : f32 to vector<16xf32>
        %gt3A_1544 = arith.cmpf ogt, %get3A_1537, %gt3A_1543 : vector<16xf32>
        %gt3A_1545 = arith.constant 0 : i32
        %gt3A_1546 = vector.broadcast %gt3A_1545 : i32 to vector<16xi32>
        %gt3A_1547 = arith.cmpi sgt, %gather3A_1541, %gt3A_1546 : vector<16xi32>
        %and3A_1548 = arith.andi %gt3A_1544, %gt3A_1547 : vector<16xi1>
        %jit3A_1549 = arith.constant 1 : i32
        %jit3A_1550 = arith.constant 0 : i32
        %broadcast_in_dim3A_1551 = vector.broadcast %jit3A_1549 : i32 to vector<16xi32>
        %broadcast_in_dim3A_1552 = vector.broadcast %jit3A_1550 : i32 to vector<16xi32>
        %select_n3A_1553 = arith.select %and3A_1548, %broadcast_in_dim3A_1551, %broadcast_in_dim3A_1552 : vector<16xi1>, vector<16xi32>
        %add3A_1554 = arith.addi %add3A_1525, %select_n3A_1553 : vector<16xi32>
        %get3A_1555 = arith.constant 0 : i32
        %get3A_1556 = arith.constant 52 : i32
        %get3A_1557 = arith.index_cast %get3A_1555 : i32 to index
        %get3A_1558 = arith.index_cast %get3A_1556 : i32 to index
        %get3A_1559 = arith.index_cast %mul3A_52 : i32 to index
        %get3A_1560 = tpu.vector_load %arg9[%get3A_1557, %get3A_1558, %get3A_1559] {strides = array<i32>} : memref<1x64x512xi32, #tpu.memory_space<vmem>>, vector<16xi32>,
        %get3A_1561 = arith.constant 0 : i32
        %get3A_1562 = arith.constant 52 : i32
        %get3A_1563 = arith.index_cast %get3A_1561 : i32 to index
        %get3A_1564 = arith.index_cast %get3A_1562 : i32 to index
        %get3A_1565 = arith.index_cast %mul3A_52 : i32 to index
        %get3A_1566 = tpu.vector_load %arg10[%get3A_1563, %get3A_1564, %get3A_1565] {strides = array<i32>} : memref<1x64x512xf32, #tpu.memory_space<vmem>>, vector<16xf32>,
        %shift_right_logical3A_1567 = arith.constant 3 : i32
        %shift_right_logical3A_1568 = vector.broadcast %shift_right_logical3A_1567 : i32 to vector<16xi32>
        %shift_right_logical3A_1569 = arith.shrui %get3A_1560, %shift_right_logical3A_1568 : vector<16xi32>
        %gather3A_1570 = tpu.vector_load_idx %arg8[%shift_right_logical3A_1569] : memref<2048xi32, #tpu.memory_space<vmem>>[vector<16xi32>], vector<16xi32>,
        %gt3A_1571 = arith.constant 5.000000e-01 : f32
        %gt3A_1572 = vector.broadcast %gt3A_1571 : f32 to vector<16xf32>
        %gt3A_1573 = arith.cmpf ogt, %get3A_1566, %gt3A_1572 : vector<16xf32>
        %gt3A_1574 = arith.constant 0 : i32
        %gt3A_1575 = vector.broadcast %gt3A_1574 : i32 to vector<16xi32>
        %gt3A_1576 = arith.cmpi sgt, %gather3A_1570, %gt3A_1575 : vector<16xi32>
        %and3A_1577 = arith.andi %gt3A_1573, %gt3A_1576 : vector<16xi1>
        %jit3A_1578 = arith.constant 1 : i32
        %jit3A_1579 = arith.constant 0 : i32
        %broadcast_in_dim3A_1580 = vector.broadcast %jit3A_1578 : i32 to vector<16xi32>
        %broadcast_in_dim3A_1581 = vector.broadcast %jit3A_1579 : i32 to vector<16xi32>
        %select_n3A_1582 = arith.select %and3A_1577, %broadcast_in_dim3A_1580, %broadcast_in_dim3A_1581 : vector<16xi1>, vector<16xi32>
        %add3A_1583 = arith.addi %add3A_1554, %select_n3A_1582 : vector<16xi32>
        %get3A_1584 = arith.constant 0 : i32
        %get3A_1585 = arith.constant 53 : i32
        %get3A_1586 = arith.index_cast %get3A_1584 : i32 to index
        %get3A_1587 = arith.index_cast %get3A_1585 : i32 to index
        %get3A_1588 = arith.index_cast %mul3A_52 : i32 to index
        %get3A_1589 = tpu.vector_load %arg9[%get3A_1586, %get3A_1587, %get3A_1588] {strides = array<i32>} : memref<1x64x512xi32, #tpu.memory_space<vmem>>, vector<16xi32>,
        %get3A_1590 = arith.constant 0 : i32
        %get3A_1591 = arith.constant 53 : i32
        %get3A_1592 = arith.index_cast %get3A_1590 : i32 to index
        %get3A_1593 = arith.index_cast %get3A_1591 : i32 to index
        %get3A_1594 = arith.index_cast %mul3A_52 : i32 to index
        %get3A_1595 = tpu.vector_load %arg10[%get3A_1592, %get3A_1593, %get3A_1594] {strides = array<i32>} : memref<1x64x512xf32, #tpu.memory_space<vmem>>, vector<16xf32>,
        %shift_right_logical3A_1596 = arith.constant 3 : i32
        %shift_right_logical3A_1597 = vector.broadcast %shift_right_logical3A_1596 : i32 to vector<16xi32>
        %shift_right_logical3A_1598 = arith.shrui %get3A_1589, %shift_right_logical3A_1597 : vector<16xi32>
        %gather3A_1599 = tpu.vector_load_idx %arg8[%shift_right_logical3A_1598] : memref<2048xi32, #tpu.memory_space<vmem>>[vector<16xi32>], vector<16xi32>,
        %gt3A_1600 = arith.constant 5.000000e-01 : f32
        %gt3A_1601 = vector.broadcast %gt3A_1600 : f32 to vector<16xf32>
        %gt3A_1602 = arith.cmpf ogt, %get3A_1595, %gt3A_1601 : vector<16xf32>
        %gt3A_1603 = arith.constant 0 : i32
        %gt3A_1604 = vector.broadcast %gt3A_1603 : i32 to vector<16xi32>
        %gt3A_1605 = arith.cmpi sgt, %gather3A_1599, %gt3A_1604 : vector<16xi32>
        %and3A_1606 = arith.andi %gt3A_1602, %gt3A_1605 : vector<16xi1>
        %jit3A_1607 = arith.constant 1 : i32
        %jit3A_1608 = arith.constant 0 : i32
        %broadcast_in_dim3A_1609 = vector.broadcast %jit3A_1607 : i32 to vector<16xi32>
        %broadcast_in_dim3A_1610 = vector.broadcast %jit3A_1608 : i32 to vector<16xi32>
        %select_n3A_1611 = arith.select %and3A_1606, %broadcast_in_dim3A_1609, %broadcast_in_dim3A_1610 : vector<16xi1>, vector<16xi32>
        %add3A_1612 = arith.addi %add3A_1583, %select_n3A_1611 : vector<16xi32>
        %get3A_1613 = arith.constant 0 : i32
        %get3A_1614 = arith.constant 54 : i32
        %get3A_1615 = arith.index_cast %get3A_1613 : i32 to index
        %get3A_1616 = arith.index_cast %get3A_1614 : i32 to index
        %get3A_1617 = arith.index_cast %mul3A_52 : i32 to index
        %get3A_1618 = tpu.vector_load %arg9[%get3A_1615, %get3A_1616, %get3A_1617] {strides = array<i32>} : memref<1x64x512xi32, #tpu.memory_space<vmem>>, vector<16xi32>,
        %get3A_1619 = arith.constant 0 : i32
        %get3A_1620 = arith.constant 54 : i32
        %get3A_1621 = arith.index_cast %get3A_1619 : i32 to index
        %get3A_1622 = arith.index_cast %get3A_1620 : i32 to index
        %get3A_1623 = arith.index_cast %mul3A_52 : i32 to index
        %get3A_1624 = tpu.vector_load %arg10[%get3A_1621, %get3A_1622, %get3A_1623] {strides = array<i32>} : memref<1x64x512xf32, #tpu.memory_space<vmem>>, vector<16xf32>,
        %shift_right_logical3A_1625 = arith.constant 3 : i32
        %shift_right_logical3A_1626 = vector.broadcast %shift_right_logical3A_1625 : i32 to vector<16xi32>
        %shift_right_logical3A_1627 = arith.shrui %get3A_1618, %shift_right_logical3A_1626 : vector<16xi32>
        %gather3A_1628 = tpu.vector_load_idx %arg8[%shift_right_logical3A_1627] : memref<2048xi32, #tpu.memory_space<vmem>>[vector<16xi32>], vector<16xi32>,
        %gt3A_1629 = arith.constant 5.000000e-01 : f32
        %gt3A_1630 = vector.broadcast %gt3A_1629 : f32 to vector<16xf32>
        %gt3A_1631 = arith.cmpf ogt, %get3A_1624, %gt3A_1630 : vector<16xf32>
        %gt3A_1632 = arith.constant 0 : i32
        %gt3A_1633 = vector.broadcast %gt3A_1632 : i32 to vector<16xi32>
        %gt3A_1634 = arith.cmpi sgt, %gather3A_1628, %gt3A_1633 : vector<16xi32>
        %and3A_1635 = arith.andi %gt3A_1631, %gt3A_1634 : vector<16xi1>
        %jit3A_1636 = arith.constant 1 : i32
        %jit3A_1637 = arith.constant 0 : i32
        %broadcast_in_dim3A_1638 = vector.broadcast %jit3A_1636 : i32 to vector<16xi32>
        %broadcast_in_dim3A_1639 = vector.broadcast %jit3A_1637 : i32 to vector<16xi32>
        %select_n3A_1640 = arith.select %and3A_1635, %broadcast_in_dim3A_1638, %broadcast_in_dim3A_1639 : vector<16xi1>, vector<16xi32>
        %add3A_1641 = arith.addi %add3A_1612, %select_n3A_1640 : vector<16xi32>
        %get3A_1642 = arith.constant 0 : i32
        %get3A_1643 = arith.constant 55 : i32
        %get3A_1644 = arith.index_cast %get3A_1642 : i32 to index
        %get3A_1645 = arith.index_cast %get3A_1643 : i32 to index
        %get3A_1646 = arith.index_cast %mul3A_52 : i32 to index
        %get3A_1647 = tpu.vector_load %arg9[%get3A_1644, %get3A_1645, %get3A_1646] {strides = array<i32>} : memref<1x64x512xi32, #tpu.memory_space<vmem>>, vector<16xi32>,
        %get3A_1648 = arith.constant 0 : i32
        %get3A_1649 = arith.constant 55 : i32
        %get3A_1650 = arith.index_cast %get3A_1648 : i32 to index
        %get3A_1651 = arith.index_cast %get3A_1649 : i32 to index
        %get3A_1652 = arith.index_cast %mul3A_52 : i32 to index
        %get3A_1653 = tpu.vector_load %arg10[%get3A_1650, %get3A_1651, %get3A_1652] {strides = array<i32>} : memref<1x64x512xf32, #tpu.memory_space<vmem>>, vector<16xf32>,
        %shift_right_logical3A_1654 = arith.constant 3 : i32
        %shift_right_logical3A_1655 = vector.broadcast %shift_right_logical3A_1654 : i32 to vector<16xi32>
        %shift_right_logical3A_1656 = arith.shrui %get3A_1647, %shift_right_logical3A_1655 : vector<16xi32>
        %gather3A_1657 = tpu.vector_load_idx %arg8[%shift_right_logical3A_1656] : memref<2048xi32, #tpu.memory_space<vmem>>[vector<16xi32>], vector<16xi32>,
        %gt3A_1658 = arith.constant 5.000000e-01 : f32
        %gt3A_1659 = vector.broadcast %gt3A_1658 : f32 to vector<16xf32>
        %gt3A_1660 = arith.cmpf ogt, %get3A_1653, %gt3A_1659 : vector<16xf32>
        %gt3A_1661 = arith.constant 0 : i32
        %gt3A_1662 = vector.broadcast %gt3A_1661 : i32 to vector<16xi32>
        %gt3A_1663 = arith.cmpi sgt, %gather3A_1657, %gt3A_1662 : vector<16xi32>
        %and3A_1664 = arith.andi %gt3A_1660, %gt3A_1663 : vector<16xi1>
        %jit3A_1665 = arith.constant 1 : i32
        %jit3A_1666 = arith.constant 0 : i32
        %broadcast_in_dim3A_1667 = vector.broadcast %jit3A_1665 : i32 to vector<16xi32>
        %broadcast_in_dim3A_1668 = vector.broadcast %jit3A_1666 : i32 to vector<16xi32>
        %select_n3A_1669 = arith.select %and3A_1664, %broadcast_in_dim3A_1667, %broadcast_in_dim3A_1668 : vector<16xi1>, vector<16xi32>
        %add3A_1670 = arith.addi %add3A_1641, %select_n3A_1669 : vector<16xi32>
        %get3A_1671 = arith.constant 0 : i32
        %get3A_1672 = arith.constant 56 : i32
        %get3A_1673 = arith.index_cast %get3A_1671 : i32 to index
        %get3A_1674 = arith.index_cast %get3A_1672 : i32 to index
        %get3A_1675 = arith.index_cast %mul3A_52 : i32 to index
        %get3A_1676 = tpu.vector_load %arg9[%get3A_1673, %get3A_1674, %get3A_1675] {strides = array<i32>} : memref<1x64x512xi32, #tpu.memory_space<vmem>>, vector<16xi32>,
        %get3A_1677 = arith.constant 0 : i32
        %get3A_1678 = arith.constant 56 : i32
        %get3A_1679 = arith.index_cast %get3A_1677 : i32 to index
        %get3A_1680 = arith.index_cast %get3A_1678 : i32 to index
        %get3A_1681 = arith.index_cast %mul3A_52 : i32 to index
        %get3A_1682 = tpu.vector_load %arg10[%get3A_1679, %get3A_1680, %get3A_1681] {strides = array<i32>} : memref<1x64x512xf32, #tpu.memory_space<vmem>>, vector<16xf32>,
        %shift_right_logical3A_1683 = arith.constant 3 : i32
        %shift_right_logical3A_1684 = vector.broadcast %shift_right_logical3A_1683 : i32 to vector<16xi32>
        %shift_right_logical3A_1685 = arith.shrui %get3A_1676, %shift_right_logical3A_1684 : vector<16xi32>
        %gather3A_1686 = tpu.vector_load_idx %arg8[%shift_right_logical3A_1685] : memref<2048xi32, #tpu.memory_space<vmem>>[vector<16xi32>], vector<16xi32>,
        %gt3A_1687 = arith.constant 5.000000e-01 : f32
        %gt3A_1688 = vector.broadcast %gt3A_1687 : f32 to vector<16xf32>
        %gt3A_1689 = arith.cmpf ogt, %get3A_1682, %gt3A_1688 : vector<16xf32>
        %gt3A_1690 = arith.constant 0 : i32
        %gt3A_1691 = vector.broadcast %gt3A_1690 : i32 to vector<16xi32>
        %gt3A_1692 = arith.cmpi sgt, %gather3A_1686, %gt3A_1691 : vector<16xi32>
        %and3A_1693 = arith.andi %gt3A_1689, %gt3A_1692 : vector<16xi1>
        %jit3A_1694 = arith.constant 1 : i32
        %jit3A_1695 = arith.constant 0 : i32
        %broadcast_in_dim3A_1696 = vector.broadcast %jit3A_1694 : i32 to vector<16xi32>
        %broadcast_in_dim3A_1697 = vector.broadcast %jit3A_1695 : i32 to vector<16xi32>
        %select_n3A_1698 = arith.select %and3A_1693, %broadcast_in_dim3A_1696, %broadcast_in_dim3A_1697 : vector<16xi1>, vector<16xi32>
        %add3A_1699 = arith.addi %add3A_1670, %select_n3A_1698 : vector<16xi32>
        %get3A_1700 = arith.constant 0 : i32
        %get3A_1701 = arith.constant 57 : i32
        %get3A_1702 = arith.index_cast %get3A_1700 : i32 to index
        %get3A_1703 = arith.index_cast %get3A_1701 : i32 to index
        %get3A_1704 = arith.index_cast %mul3A_52 : i32 to index
        %get3A_1705 = tpu.vector_load %arg9[%get3A_1702, %get3A_1703, %get3A_1704] {strides = array<i32>} : memref<1x64x512xi32, #tpu.memory_space<vmem>>, vector<16xi32>,
        %get3A_1706 = arith.constant 0 : i32
        %get3A_1707 = arith.constant 57 : i32
        %get3A_1708 = arith.index_cast %get3A_1706 : i32 to index
        %get3A_1709 = arith.index_cast %get3A_1707 : i32 to index
        %get3A_1710 = arith.index_cast %mul3A_52 : i32 to index
        %get3A_1711 = tpu.vector_load %arg10[%get3A_1708, %get3A_1709, %get3A_1710] {strides = array<i32>} : memref<1x64x512xf32, #tpu.memory_space<vmem>>, vector<16xf32>,
        %shift_right_logical3A_1712 = arith.constant 3 : i32
        %shift_right_logical3A_1713 = vector.broadcast %shift_right_logical3A_1712 : i32 to vector<16xi32>
        %shift_right_logical3A_1714 = arith.shrui %get3A_1705, %shift_right_logical3A_1713 : vector<16xi32>
        %gather3A_1715 = tpu.vector_load_idx %arg8[%shift_right_logical3A_1714] : memref<2048xi32, #tpu.memory_space<vmem>>[vector<16xi32>], vector<16xi32>,
        %gt3A_1716 = arith.constant 5.000000e-01 : f32
        %gt3A_1717 = vector.broadcast %gt3A_1716 : f32 to vector<16xf32>
        %gt3A_1718 = arith.cmpf ogt, %get3A_1711, %gt3A_1717 : vector<16xf32>
        %gt3A_1719 = arith.constant 0 : i32
        %gt3A_1720 = vector.broadcast %gt3A_1719 : i32 to vector<16xi32>
        %gt3A_1721 = arith.cmpi sgt, %gather3A_1715, %gt3A_1720 : vector<16xi32>
        %and3A_1722 = arith.andi %gt3A_1718, %gt3A_1721 : vector<16xi1>
        %jit3A_1723 = arith.constant 1 : i32
        %jit3A_1724 = arith.constant 0 : i32
        %broadcast_in_dim3A_1725 = vector.broadcast %jit3A_1723 : i32 to vector<16xi32>
        %broadcast_in_dim3A_1726 = vector.broadcast %jit3A_1724 : i32 to vector<16xi32>
        %select_n3A_1727 = arith.select %and3A_1722, %broadcast_in_dim3A_1725, %broadcast_in_dim3A_1726 : vector<16xi1>, vector<16xi32>
        %add3A_1728 = arith.addi %add3A_1699, %select_n3A_1727 : vector<16xi32>
        %get3A_1729 = arith.constant 0 : i32
        %get3A_1730 = arith.constant 58 : i32
        %get3A_1731 = arith.index_cast %get3A_1729 : i32 to index
        %get3A_1732 = arith.index_cast %get3A_1730 : i32 to index
        %get3A_1733 = arith.index_cast %mul3A_52 : i32 to index
        %get3A_1734 = tpu.vector_load %arg9[%get3A_1731, %get3A_1732, %get3A_1733] {strides = array<i32>} : memref<1x64x512xi32, #tpu.memory_space<vmem>>, vector<16xi32>,
        %get3A_1735 = arith.constant 0 : i32
        %get3A_1736 = arith.constant 58 : i32
        %get3A_1737 = arith.index_cast %get3A_1735 : i32 to index
        %get3A_1738 = arith.index_cast %get3A_1736 : i32 to index
        %get3A_1739 = arith.index_cast %mul3A_52 : i32 to index
        %get3A_1740 = tpu.vector_load %arg10[%get3A_1737, %get3A_1738, %get3A_1739] {strides = array<i32>} : memref<1x64x512xf32, #tpu.memory_space<vmem>>, vector<16xf32>,
        %shift_right_logical3A_1741 = arith.constant 3 : i32
        %shift_right_logical3A_1742 = vector.broadcast %shift_right_logical3A_1741 : i32 to vector<16xi32>
        %shift_right_logical3A_1743 = arith.shrui %get3A_1734, %shift_right_logical3A_1742 : vector<16xi32>
        %gather3A_1744 = tpu.vector_load_idx %arg8[%shift_right_logical3A_1743] : memref<2048xi32, #tpu.memory_space<vmem>>[vector<16xi32>], vector<16xi32>,
        %gt3A_1745 = arith.constant 5.000000e-01 : f32
        %gt3A_1746 = vector.broadcast %gt3A_1745 : f32 to vector<16xf32>
        %gt3A_1747 = arith.cmpf ogt, %get3A_1740, %gt3A_1746 : vector<16xf32>
        %gt3A_1748 = arith.constant 0 : i32
        %gt3A_1749 = vector.broadcast %gt3A_1748 : i32 to vector<16xi32>
        %gt3A_1750 = arith.cmpi sgt, %gather3A_1744, %gt3A_1749 : vector<16xi32>
        %and3A_1751 = arith.andi %gt3A_1747, %gt3A_1750 : vector<16xi1>
        %jit3A_1752 = arith.constant 1 : i32
        %jit3A_1753 = arith.constant 0 : i32
        %broadcast_in_dim3A_1754 = vector.broadcast %jit3A_1752 : i32 to vector<16xi32>
        %broadcast_in_dim3A_1755 = vector.broadcast %jit3A_1753 : i32 to vector<16xi32>
        %select_n3A_1756 = arith.select %and3A_1751, %broadcast_in_dim3A_1754, %broadcast_in_dim3A_1755 : vector<16xi1>, vector<16xi32>
        %add3A_1757 = arith.addi %add3A_1728, %select_n3A_1756 : vector<16xi32>
        %get3A_1758 = arith.constant 0 : i32
        %get3A_1759 = arith.constant 59 : i32
        %get3A_1760 = arith.index_cast %get3A_1758 : i32 to index
        %get3A_1761 = arith.index_cast %get3A_1759 : i32 to index
        %get3A_1762 = arith.index_cast %mul3A_52 : i32 to index
        %get3A_1763 = tpu.vector_load %arg9[%get3A_1760, %get3A_1761, %get3A_1762] {strides = array<i32>} : memref<1x64x512xi32, #tpu.memory_space<vmem>>, vector<16xi32>,
        %get3A_1764 = arith.constant 0 : i32
        %get3A_1765 = arith.constant 59 : i32
        %get3A_1766 = arith.index_cast %get3A_1764 : i32 to index
        %get3A_1767 = arith.index_cast %get3A_1765 : i32 to index
        %get3A_1768 = arith.index_cast %mul3A_52 : i32 to index
        %get3A_1769 = tpu.vector_load %arg10[%get3A_1766, %get3A_1767, %get3A_1768] {strides = array<i32>} : memref<1x64x512xf32, #tpu.memory_space<vmem>>, vector<16xf32>,
        %shift_right_logical3A_1770 = arith.constant 3 : i32
        %shift_right_logical3A_1771 = vector.broadcast %shift_right_logical3A_1770 : i32 to vector<16xi32>
        %shift_right_logical3A_1772 = arith.shrui %get3A_1763, %shift_right_logical3A_1771 : vector<16xi32>
        %gather3A_1773 = tpu.vector_load_idx %arg8[%shift_right_logical3A_1772] : memref<2048xi32, #tpu.memory_space<vmem>>[vector<16xi32>], vector<16xi32>,
        %gt3A_1774 = arith.constant 5.000000e-01 : f32
        %gt3A_1775 = vector.broadcast %gt3A_1774 : f32 to vector<16xf32>
        %gt3A_1776 = arith.cmpf ogt, %get3A_1769, %gt3A_1775 : vector<16xf32>
        %gt3A_1777 = arith.constant 0 : i32
        %gt3A_1778 = vector.broadcast %gt3A_1777 : i32 to vector<16xi32>
        %gt3A_1779 = arith.cmpi sgt, %gather3A_1773, %gt3A_1778 : vector<16xi32>
        %and3A_1780 = arith.andi %gt3A_1776, %gt3A_1779 : vector<16xi1>
        %jit3A_1781 = arith.constant 1 : i32
        %jit3A_1782 = arith.constant 0 : i32
        %broadcast_in_dim3A_1783 = vector.broadcast %jit3A_1781 : i32 to vector<16xi32>
        %broadcast_in_dim3A_1784 = vector.broadcast %jit3A_1782 : i32 to vector<16xi32>
        %select_n3A_1785 = arith.select %and3A_1780, %broadcast_in_dim3A_1783, %broadcast_in_dim3A_1784 : vector<16xi1>, vector<16xi32>
        %add3A_1786 = arith.addi %add3A_1757, %select_n3A_1785 : vector<16xi32>
        %get3A_1787 = arith.constant 0 : i32
        %get3A_1788 = arith.constant 60 : i32
        %get3A_1789 = arith.index_cast %get3A_1787 : i32 to index
        %get3A_1790 = arith.index_cast %get3A_1788 : i32 to index
        %get3A_1791 = arith.index_cast %mul3A_52 : i32 to index
        %get3A_1792 = tpu.vector_load %arg9[%get3A_1789, %get3A_1790, %get3A_1791] {strides = array<i32>} : memref<1x64x512xi32, #tpu.memory_space<vmem>>, vector<16xi32>,
        %get3A_1793 = arith.constant 0 : i32
        %get3A_1794 = arith.constant 60 : i32
        %get3A_1795 = arith.index_cast %get3A_1793 : i32 to index
        %get3A_1796 = arith.index_cast %get3A_1794 : i32 to index
        %get3A_1797 = arith.index_cast %mul3A_52 : i32 to index
        %get3A_1798 = tpu.vector_load %arg10[%get3A_1795, %get3A_1796, %get3A_1797] {strides = array<i32>} : memref<1x64x512xf32, #tpu.memory_space<vmem>>, vector<16xf32>,
        %shift_right_logical3A_1799 = arith.constant 3 : i32
        %shift_right_logical3A_1800 = vector.broadcast %shift_right_logical3A_1799 : i32 to vector<16xi32>
        %shift_right_logical3A_1801 = arith.shrui %get3A_1792, %shift_right_logical3A_1800 : vector<16xi32>
        %gather3A_1802 = tpu.vector_load_idx %arg8[%shift_right_logical3A_1801] : memref<2048xi32, #tpu.memory_space<vmem>>[vector<16xi32>], vector<16xi32>,
        %gt3A_1803 = arith.constant 5.000000e-01 : f32
        %gt3A_1804 = vector.broadcast %gt3A_1803 : f32 to vector<16xf32>
        %gt3A_1805 = arith.cmpf ogt, %get3A_1798, %gt3A_1804 : vector<16xf32>
        %gt3A_1806 = arith.constant 0 : i32
        %gt3A_1807 = vector.broadcast %gt3A_1806 : i32 to vector<16xi32>
        %gt3A_1808 = arith.cmpi sgt, %gather3A_1802, %gt3A_1807 : vector<16xi32>
        %and3A_1809 = arith.andi %gt3A_1805, %gt3A_1808 : vector<16xi1>
        %jit3A_1810 = arith.constant 1 : i32
        %jit3A_1811 = arith.constant 0 : i32
        %broadcast_in_dim3A_1812 = vector.broadcast %jit3A_1810 : i32 to vector<16xi32>
        %broadcast_in_dim3A_1813 = vector.broadcast %jit3A_1811 : i32 to vector<16xi32>
        %select_n3A_1814 = arith.select %and3A_1809, %broadcast_in_dim3A_1812, %broadcast_in_dim3A_1813 : vector<16xi1>, vector<16xi32>
        %add3A_1815 = arith.addi %add3A_1786, %select_n3A_1814 : vector<16xi32>
        %get3A_1816 = arith.constant 0 : i32
        %get3A_1817 = arith.constant 61 : i32
        %get3A_1818 = arith.index_cast %get3A_1816 : i32 to index
        %get3A_1819 = arith.index_cast %get3A_1817 : i32 to index
        %get3A_1820 = arith.index_cast %mul3A_52 : i32 to index
        %get3A_1821 = tpu.vector_load %arg9[%get3A_1818, %get3A_1819, %get3A_1820] {strides = array<i32>} : memref<1x64x512xi32, #tpu.memory_space<vmem>>, vector<16xi32>,
        %get3A_1822 = arith.constant 0 : i32
        %get3A_1823 = arith.constant 61 : i32
        %get3A_1824 = arith.index_cast %get3A_1822 : i32 to index
        %get3A_1825 = arith.index_cast %get3A_1823 : i32 to index
        %get3A_1826 = arith.index_cast %mul3A_52 : i32 to index
        %get3A_1827 = tpu.vector_load %arg10[%get3A_1824, %get3A_1825, %get3A_1826] {strides = array<i32>} : memref<1x64x512xf32, #tpu.memory_space<vmem>>, vector<16xf32>,
        %shift_right_logical3A_1828 = arith.constant 3 : i32
        %shift_right_logical3A_1829 = vector.broadcast %shift_right_logical3A_1828 : i32 to vector<16xi32>
        %shift_right_logical3A_1830 = arith.shrui %get3A_1821, %shift_right_logical3A_1829 : vector<16xi32>
        %gather3A_1831 = tpu.vector_load_idx %arg8[%shift_right_logical3A_1830] : memref<2048xi32, #tpu.memory_space<vmem>>[vector<16xi32>], vector<16xi32>,
        %gt3A_1832 = arith.constant 5.000000e-01 : f32
        %gt3A_1833 = vector.broadcast %gt3A_1832 : f32 to vector<16xf32>
        %gt3A_1834 = arith.cmpf ogt, %get3A_1827, %gt3A_1833 : vector<16xf32>
        %gt3A_1835 = arith.constant 0 : i32
        %gt3A_1836 = vector.broadcast %gt3A_1835 : i32 to vector<16xi32>
        %gt3A_1837 = arith.cmpi sgt, %gather3A_1831, %gt3A_1836 : vector<16xi32>
        %and3A_1838 = arith.andi %gt3A_1834, %gt3A_1837 : vector<16xi1>
        %jit3A_1839 = arith.constant 1 : i32
        %jit3A_1840 = arith.constant 0 : i32
        %broadcast_in_dim3A_1841 = vector.broadcast %jit3A_1839 : i32 to vector<16xi32>
        %broadcast_in_dim3A_1842 = vector.broadcast %jit3A_1840 : i32 to vector<16xi32>
        %select_n3A_1843 = arith.select %and3A_1838, %broadcast_in_dim3A_1841, %broadcast_in_dim3A_1842 : vector<16xi1>, vector<16xi32>
        %add3A_1844 = arith.addi %add3A_1815, %select_n3A_1843 : vector<16xi32>
        %get3A_1845 = arith.constant 0 : i32
        %get3A_1846 = arith.constant 62 : i32
        %get3A_1847 = arith.index_cast %get3A_1845 : i32 to index
        %get3A_1848 = arith.index_cast %get3A_1846 : i32 to index
        %get3A_1849 = arith.index_cast %mul3A_52 : i32 to index
        %get3A_1850 = tpu.vector_load %arg9[%get3A_1847, %get3A_1848, %get3A_1849] {strides = array<i32>} : memref<1x64x512xi32, #tpu.memory_space<vmem>>, vector<16xi32>,
        %get3A_1851 = arith.constant 0 : i32
        %get3A_1852 = arith.constant 62 : i32
        %get3A_1853 = arith.index_cast %get3A_1851 : i32 to index
        %get3A_1854 = arith.index_cast %get3A_1852 : i32 to index
        %get3A_1855 = arith.index_cast %mul3A_52 : i32 to index
        %get3A_1856 = tpu.vector_load %arg10[%get3A_1853, %get3A_1854, %get3A_1855] {strides = array<i32>} : memref<1x64x512xf32, #tpu.memory_space<vmem>>, vector<16xf32>,
        %shift_right_logical3A_1857 = arith.constant 3 : i32
        %shift_right_logical3A_1858 = vector.broadcast %shift_right_logical3A_1857 : i32 to vector<16xi32>
        %shift_right_logical3A_1859 = arith.shrui %get3A_1850, %shift_right_logical3A_1858 : vector<16xi32>
        %gather3A_1860 = tpu.vector_load_idx %arg8[%shift_right_logical3A_1859] : memref<2048xi32, #tpu.memory_space<vmem>>[vector<16xi32>], vector<16xi32>,
        %gt3A_1861 = arith.constant 5.000000e-01 : f32
        %gt3A_1862 = vector.broadcast %gt3A_1861 : f32 to vector<16xf32>
        %gt3A_1863 = arith.cmpf ogt, %get3A_1856, %gt3A_1862 : vector<16xf32>
        %gt3A_1864 = arith.constant 0 : i32
        %gt3A_1865 = vector.broadcast %gt3A_1864 : i32 to vector<16xi32>
        %gt3A_1866 = arith.cmpi sgt, %gather3A_1860, %gt3A_1865 : vector<16xi32>
        %and3A_1867 = arith.andi %gt3A_1863, %gt3A_1866 : vector<16xi1>
        %jit3A_1868 = arith.constant 1 : i32
        %jit3A_1869 = arith.constant 0 : i32
        %broadcast_in_dim3A_1870 = vector.broadcast %jit3A_1868 : i32 to vector<16xi32>
        %broadcast_in_dim3A_1871 = vector.broadcast %jit3A_1869 : i32 to vector<16xi32>
        %select_n3A_1872 = arith.select %and3A_1867, %broadcast_in_dim3A_1870, %broadcast_in_dim3A_1871 : vector<16xi1>, vector<16xi32>
        %add3A_1873 = arith.addi %add3A_1844, %select_n3A_1872 : vector<16xi32>
        %get3A_1874 = arith.constant 0 : i32
        %get3A_1875 = arith.constant 63 : i32
        %get3A_1876 = arith.index_cast %get3A_1874 : i32 to index
        %get3A_1877 = arith.index_cast %get3A_1875 : i32 to index
        %get3A_1878 = arith.index_cast %mul3A_52 : i32 to index
        %get3A_1879 = tpu.vector_load %arg9[%get3A_1876, %get3A_1877, %get3A_1878] {strides = array<i32>} : memref<1x64x512xi32, #tpu.memory_space<vmem>>, vector<16xi32>,
        %get3A_1880 = arith.constant 0 : i32
        %get3A_1881 = arith.constant 63 : i32
        %get3A_1882 = arith.index_cast %get3A_1880 : i32 to index
        %get3A_1883 = arith.index_cast %get3A_1881 : i32 to index
        %get3A_1884 = arith.index_cast %mul3A_52 : i32 to index
        %get3A_1885 = tpu.vector_load %arg10[%get3A_1882, %get3A_1883, %get3A_1884] {strides = array<i32>} : memref<1x64x512xf32, #tpu.memory_space<vmem>>, vector<16xf32>,
        %shift_right_logical3A_1886 = arith.constant 3 : i32
        %shift_right_logical3A_1887 = vector.broadcast %shift_right_logical3A_1886 : i32 to vector<16xi32>
        %shift_right_logical3A_1888 = arith.shrui %get3A_1879, %shift_right_logical3A_1887 : vector<16xi32>
        %gather3A_1889 = tpu.vector_load_idx %arg8[%shift_right_logical3A_1888] : memref<2048xi32, #tpu.memory_space<vmem>>[vector<16xi32>], vector<16xi32>,
        %gt3A_1890 = arith.constant 5.000000e-01 : f32
        %gt3A_1891 = vector.broadcast %gt3A_1890 : f32 to vector<16xf32>
        %gt3A_1892 = arith.cmpf ogt, %get3A_1885, %gt3A_1891 : vector<16xf32>
        %gt3A_1893 = arith.constant 0 : i32
        %gt3A_1894 = vector.broadcast %gt3A_1893 : i32 to vector<16xi32>
        %gt3A_1895 = arith.cmpi sgt, %gather3A_1889, %gt3A_1894 : vector<16xi32>
        %and3A_1896 = arith.andi %gt3A_1892, %gt3A_1895 : vector<16xi1>
        %jit3A_1897 = arith.constant 1 : i32
        %jit3A_1898 = arith.constant 0 : i32
        %broadcast_in_dim3A_1899 = vector.broadcast %jit3A_1897 : i32 to vector<16xi32>
        %broadcast_in_dim3A_1900 = vector.broadcast %jit3A_1898 : i32 to vector<16xi32>
        %select_n3A_1901 = arith.select %and3A_1896, %broadcast_in_dim3A_1899, %broadcast_in_dim3A_1900 : vector<16xi1>, vector<16xi32>
        %add3A_1902 = arith.addi %add3A_1873, %select_n3A_1901 : vector<16xi32>
        %ge3A = arith.constant 10 : i32
        %ge3A_1903 = vector.broadcast %ge3A : i32 to vector<16xi32>
        %ge3A_1904 = arith.cmpi sge, %add3A_1902, %ge3A_1903 : vector<16xi32>
        %jit3A_1905 = arith.constant 1 : i32
        %jit3A_1906 = arith.constant 0 : i32
        %broadcast_in_dim3A_1907 = vector.broadcast %jit3A_1905 : i32 to vector<16xi32>
        %broadcast_in_dim3A_1908 = vector.broadcast %jit3A_1906 : i32 to vector<16xi32>
        %select_n3A_1909 = arith.select %ge3A_1904, %broadcast_in_dim3A_1907, %broadcast_in_dim3A_1908 : vector<16xi1>, vector<16xi32>
        %get3A_1910 = arith.index_cast %mul3A_52 : i32 to index
        %get3A_1911 = tpu.vector_load %arg12[%get3A_1910] {strides = array<i32>} : memref<512xi32, #tpu.memory_space<vmem>>, vector<16xi32>,
        %or3A = arith.ori %get3A_1911, %select_n3A_1909 : vector<16xi32>
        %swap3A = arith.index_cast %mul3A_52 : i32 to index
        %swap3A_1912 = tpu.vector_load %arg12[%swap3A] {strides = array<i32>} : memref<512xi32, #tpu.memory_space<vmem>>, vector<16xi32>,
        tpu.vector_store %arg12[%swap3A], %or3A {strides = array<i32>} : memref<512xi32, #tpu.memory_space<vmem>>, vector<16xi32>,
        %scan3A_1913 = arith.constant 0 : i32
        scf.yield %scan3A_1913 : i32
      }
      %scan3A_47 = arith.constant 32 : i32
      %scan3A_48 = arith.constant 0 : i32
      scf.yield %scan3A_48 : i32
    }
    %scan3A_15 = arith.constant 16 : i32
    %scan3A_16 = arith.constant 0 : i32
    %scan3A_17 = arith.constant 0 : i32
    %scan3A_18 = arith.constant 32 : i32
    %scan3A_19 = arith.addi %scan3A_17, %scan3A_18 : i32
    %scan3A_20 = arith.constant 1 : i32
    %scan3A_21 = scf.for %scan3A_25 = %scan3A_17 to %scan3A_19 step %scan3A_20 iter_args(%scan3A_26 = %scan3A_16) -> (i32)  : i32 {
      %mul3A_27 = arith.constant 16 : i32
      %mul3A_28 = arith.muli %scan3A_25, %mul3A_27 : i32
      %add3A_29 = arith.addi %mul3A_2, %mul3A_28 : i32
      %add3A_30 = vector.broadcast %add3A_29 : i32 to vector<16xi32>
      %add3A_31 = arith.addi %add3A_30, %iota3A : vector<16xi32>
      %shift_right_logical3A = arith.constant 3 : i32
      %shift_right_logical3A_32 = vector.broadcast %shift_right_logical3A : i32 to vector<16xi32>
      %shift_right_logical3A_33 = arith.shrui %add3A_31, %shift_right_logical3A_32 : vector<16xi32>
      %gather3A = tpu.vector_load_idx %arg8[%shift_right_logical3A_33] : memref<2048xi32, #tpu.memory_space<vmem>>[vector<16xi32>], vector<16xi32>,
      %mul3A_34 = arith.constant 16 : i32
      %mul3A_35 = arith.muli %scan3A_25, %mul3A_34 : i32
      %swap3A = arith.index_cast %mul3A_35 : i32 to index
      %swap3A_36 = tpu.vector_load %arg11[%swap3A] {strides = array<i32>} : memref<512xi32, #tpu.memory_space<vmem>>, vector<16xi32>,
      tpu.vector_store %arg11[%swap3A], %gather3A {strides = array<i32>} : memref<512xi32, #tpu.memory_space<vmem>>, vector<16xi32>,
      %scan3A_37 = arith.constant 0 : i32
      scf.yield %scan3A_37 : i32
    }
    %scan3A_22 = arith.constant 32 : i32
    "tpu.region"() ({
      %run_scoped3A = tpu.sem_alloc : memref<!tpu.dma_semaphore, #tpu.memory_space<semaphore_mem>>
      %dma_start3A = tpu.memref_slice %arg5[%mul3A_2] : memref<16384xi32, #tpu.memory_space<hbm>> -> memref<512xi32, #tpu.memory_space<hbm>>
      %dma_start3A_25 = tpu.memref_slice %arg5[%mul3A_2] : memref<16384xi32, #tpu.memory_space<hbm>> -> memref<512xi32, #tpu.memory_space<hbm>>
      tpu.enqueue_dma source(%arg11 : memref<512xi32, #tpu.memory_space<vmem>>) target(%dma_start3A_25 : memref<512xi32, #tpu.memory_space<hbm>>) target_semaphore(%run_scoped3A : memref<!tpu.dma_semaphore, #tpu.memory_space<semaphore_mem>>)
      %dma_wait3A = tpu.memref_slice %arg5[%mul3A_2] : memref<16384xi32, #tpu.memory_space<hbm>> -> memref<512xi32, #tpu.memory_space<hbm>>
      %dma_wait3A_26 = tpu.memref_slice %arg5[%mul3A_2] : memref<16384xi32, #tpu.memory_space<hbm>> -> memref<512xi32, #tpu.memory_space<hbm>>
      tpu.wait_dma2 semaphore(%run_scoped3A : memref<!tpu.dma_semaphore, #tpu.memory_space<semaphore_mem>>) src(%arg11 : memref<512xi32, #tpu.memory_space<vmem>>) dst(%dma_wait3A_26 : memref<512xi32, #tpu.memory_space<hbm>>)
      tpu.yield
    }) : () -> ()
    "tpu.region"() ({
      %run_scoped3A = tpu.sem_alloc : memref<!tpu.dma_semaphore, #tpu.memory_space<semaphore_mem>>
      %dma_start3A = tpu.memref_slice %arg6[%mul3A_2] : memref<16384xi32, #tpu.memory_space<hbm>> -> memref<512xi32, #tpu.memory_space<hbm>>
      %dma_start3A_25 = tpu.memref_slice %arg6[%mul3A_2] : memref<16384xi32, #tpu.memory_space<hbm>> -> memref<512xi32, #tpu.memory_space<hbm>>
      tpu.enqueue_dma source(%arg12 : memref<512xi32, #tpu.memory_space<vmem>>) target(%dma_start3A_25 : memref<512xi32, #tpu.memory_space<hbm>>) target_semaphore(%run_scoped3A : memref<!tpu.dma_semaphore, #tpu.memory_space<semaphore_mem>>)
      %dma_wait3A = tpu.memref_slice %arg6[%mul3A_2] : memref<16384xi32, #tpu.memory_space<hbm>> -> memref<512xi32, #tpu.memory_space<hbm>>
      %dma_wait3A_26 = tpu.memref_slice %arg6[%mul3A_2] : memref<16384xi32, #tpu.memory_space<hbm>> -> memref<512xi32, #tpu.memory_space<hbm>>
      tpu.wait_dma2 semaphore(%run_scoped3A : memref<!tpu.dma_semaphore, #tpu.memory_space<semaphore_mem>>) src(%arg12 : memref<512xi32, #tpu.memory_space<vmem>>) dst(%dma_wait3A_26 : memref<512xi32, #tpu.memory_space<hbm>>)
      tpu.yield
    }) : () -> ()
    %eq3A = arith.constant 0 : i32
    %eq3A_23 = arith.cmpi eq, %add3A, %eq3A : i32
    %convert_element_type3A = arith.extui %eq3A_23 : i1 to i32
    %cond3A = arith.constant 0 : i32
    %cond3A_24 = arith.cmpi ne, %convert_element_type3A, %cond3A : i32
    scf.if %cond3A_24 {
      %broadcast_in_dim3A = arith.constant 0 : i32
      %broadcast_in_dim3A_25 = vector.broadcast %broadcast_in_dim3A : i32 to vector<16xi32>
      %scan3A_26 = arith.constant 0 : i32
      %scan3A_27 = arith.constant 128 : i32
      %scan3A_28 = arith.addi %scan3A_26, %scan3A_27 : i32
      %scan3A_29 = arith.constant 1 : i32
      %scan3A_30 = scf.for %scan3A_43 = %scan3A_26 to %scan3A_28 step %scan3A_29 iter_args(%scan3A_44 = %broadcast_in_dim3A_25) -> (vector<16xi32>)  : i32 {
        %mul3A_45 = arith.constant 16 : i32
        %mul3A_46 = arith.muli %scan3A_43, %mul3A_45 : i32
        %get3A = arith.index_cast %mul3A_46 : i32 to index
        %get3A_47 = tpu.vector_load %arg8[%get3A] {strides = array<i32>} : memref<2048xi32, #tpu.memory_space<vmem>>, vector<16xi32>,
        %max3A = arith.maxsi %scan3A_44, %get3A_47 : vector<16xi32>
        scf.yield %max3A : vector<16xi32>
      }
      %scan3A_31 = arith.constant 128 : i32
      %reduce_max3A = arith.constant true
      %reduce_max3A_32 = vector.broadcast %reduce_max3A : i1 to vector<16xi1>
      %reduce_max3A_33 = arith.constant -2147483648 : i32
      %reduce_max3A_34 = vector.broadcast %reduce_max3A_33 : i32 to vector<16xi32>
      %reduce_max3A_35 = arith.xori %scan3A_30, %reduce_max3A_34 : vector<16xi32>
      %reduce_max3A_36 = tpu.scan <max>, %reduce_max3A_35 masked %reduce_max3A_32 : vector<16xi32>, vector<16xi1> -> vector<16xi32>
      %reduce_max3A_37 = arith.xori %reduce_max3A_36, %reduce_max3A_34 : vector<16xi32>
      %reduce_max3A_38 = vector.extract %reduce_max3A_37[15] : i32 from vector<16xi32>
      %gt3A = arith.constant 0 : i32
      %gt3A_39 = arith.cmpi sgt, %reduce_max3A_38, %gt3A : i32
      %jit3A = arith.constant 0.000000e+00 : f32
      %jit3A_40 = arith.constant 1.000000e+00 : f32
      %select_n3A = arith.select %gt3A_39, %jit3A, %jit3A_40 : f32
      %broadcast_in_dim3A_41 = vector.broadcast %select_n3A : f32 to vector<16xf32>
      %swap3A = arith.constant 0 : index
      %swap3A_42 = tpu.vector_load %arg13[%swap3A] {strides = array<i32>} : memref<16xf32, #tpu.memory_space<vmem>>, vector<16xf32>,
      tpu.vector_store %arg13[%swap3A], %broadcast_in_dim3A_41 {strides = array<i32>} : memref<16xf32, #tpu.memory_space<vmem>>, vector<16xf32>,
      "tpu.region"() ({
        %run_scoped3A = tpu.sem_alloc : memref<!tpu.dma_semaphore, #tpu.memory_space<semaphore_mem>>
        tpu.enqueue_dma source(%arg13 : memref<16xf32, #tpu.memory_space<vmem>>) target(%arg7 : memref<16xf32, #tpu.memory_space<hbm>>) target_semaphore(%run_scoped3A : memref<!tpu.dma_semaphore, #tpu.memory_space<semaphore_mem>>)
        tpu.wait_dma2 semaphore(%run_scoped3A : memref<!tpu.dma_semaphore, #tpu.memory_space<semaphore_mem>>) src(%arg13 : memref<16xf32, #tpu.memory_space<vmem>>) dst(%arg7 : memref<16xf32, #tpu.memory_space<hbm>>)
        tpu.yield
      }) : () -> ()
    } else {
    }
    return
  }
}

</mosaic_0001>

<sc_bundles>
// kernel: kernel.3.cloned.1.call-start
scs
__scs_entry_jumppad:
0x0: {  	(pc) =	sbr.rel $0x88, $3  }
0x1: {  	(tag) =	ssettag $0x0;
	lr =	simm.s32 $0x1  }
0x2: {  	[smem:$0x3F9E] =	sst lr;
	_ =	strace $0xD0000000  }
0x3: {  	_ = 	snop  }
0x4: {  	_ = 	snop  }
0x5: {  	_ = 	snop  }
0x6: {  	_ = 	snop  }
0x7: {  	_ = 	snop  }
__scs_overlays_trampoline_lowered:
0x8: {  	[smem:$0x3FAD] =	sst s0  }
0x9: {  	[smem:$0x3FAE] =	sst s1  }
0xa: {  	[smem:$0x3FAF] =	sst s2  }
0xb: {  	[smem:$0x3FB0] =	sst s3  }
0xc: {  	[smem:$0x3FB1] =	sst s4  }
0xd: {  	[smem:$0x3FB2] =	sst s5  }
0xe: {  	[smem:$0x3FB3] =	sst s6  }
0xf: {  	[smem:$0x3FB4] =	sst s7  }
0x10: {  	[smem:$0x3FB5] =	sst s8  }
0x11: {  	[smem:$0x3FB6] =	sst s9;
	s0 =	simm.s32 @!p0 $0x0  }
0x12: {  	s1 =	sld [smem:$0x3F9C];
	s0 =	simm.s32 @p0 $0x1  }
0x13: {  	[smem:$0x3FB7] =	sst s0;
	s0 =	simm.s32 @!p1 $0x0  }
0x14: {  	s2 =	sld [smem:$0x3F9B];
	s0 =	simm.s32 @p1 $0x1  }
0x15: {  	[smem:$0x3FB8] =	sst s0;
	s0 =	simm.s32 @!p2 $0x0  }
0x16: {  	s3 =	sld [smem:$0x3FDB];
	s0 =	simm.s32 @p2 $0x1  }
0x17: {  	s4 =	simm.s32 $0x1BF5;
	[smem:$0x3FBA] =	sst s0  }
0x18: {  	s0 =	sld [smem:$0x3F9D];
	_ =	swait.ge [sflag:s4], $0x0  }
0x19: {  	s7 =	sld [smem:$0x3F9E]  }
0x1a: {  	s8 =	sadd.s32 $0xFFFFE003, lr  }
0x1b: {  	s9 =	sadd.s32 $0xFFFFFEF7, lr;
	s5 =	simm.s32 $0xFFFFFFFF;
	p2 =	slt.u32 s8, $0xFFFFF086  }
0x1c: {  	p1 =	slt.u32 s9, $0xF7A;
	s5 =	simm.s32 @!p2 $0x0  }
0x1d: {  	s5 =	simm.s32 @p1 $0x1;
	p0 =	seq.s32 s7, s2  }
0x1e: {  	s7 =	smul.u32 @!p0 $0xF7A, s2;
	p2 =	seq.s32 @!p0 s5, $0x0  }
0x1f: {  	s9 =	smul.u32 $0xF7A, s1;
	s8 =	simm.s32 @!p0 $0x1BF5;
	p2 =	por !p2, p0  }
0x20: {  	[sflag:s8] =	ssyncset.s32 @!p0 $0xFFFFF086;
	s6 =	sadd.s32 @!p0 s3, s7;
	s7 =	simm.s32 @!p0 $0x108  }
0x21: {  	s3 =	sadd.s32 s3, s9;
	s6 =	sadd.s32 @!p0 $0x88, s6;
	s7 =	simm.s32 @p2 $0x1082  }
0x22: {  	[simem:s7], [sflag:s8] =	dma.local @!p0 [hbm:s6], $0xF7A  }
0x23: {  	s9 =	sor.u32 $0xD0000000, s2;
	s6 =	simm.s32 $0x108;
	_ =	swait.ge @!p0 [sflag:s8], $0x0  }
0x24: {  	s3 =	sadd.s32 $0x88, s3;
	s6 =	simm.s32 @!p1 $0x1082;
	[sflag:s4] =	ssyncset.s32 $0xFFFFF086  }
0x25: {  	[simem:s6], [sflag:s4] =	dma.local [hbm:s3], $0xF7A  }
0x26: {  	[smem:$0x3F9E] =	sst s1;
	(tag) =	ssettag s2;
	_ =	strace s9  }
0x27: {  	s1 =	sld [smem:$0x3FAE]  }
0x28: {  	s2 =	sld [smem:$0x3FAF]  }
0x29: {  	s4 =	sld [smem:$0x3FB1]  }
0x2a: {  	p0 =	seq.s32 s5, $0x0;
	s5 =	sld [smem:$0x3FB2]  }
0x2b: {  	s6 =	sld [smem:$0x3FB3]  }
0x2c: {  	s7 =	sld [smem:$0x3FB4]  }
0x2d: {  	s3 =	simm.s32 $0x108;
	s8 =	sld [smem:$0x3FB5]  }
0x2e: {  	s3 =	simm.s32 @!p0 $0x1082;
	s9 =	sld [smem:$0x3FB6]  }
0x2f: {  	lr =	sadd.s32 s0, s3;
	s0 =	sld [smem:$0x3FAD]  }
0x30: {  	s3 =	sld [smem:$0x3FB0]  }
0x31: {  	[smem:$0x3FB9] =	sst s10  }
0x32: {  	s10 =	sld [smem:$0x3FB7];
	_ =	sdelay $0x3  }
0x33: {  	p0 =	seq.s32 s10, $0x1;
	s10 =	sld [smem:$0x3FB9];
	_ =	sdelay $0x3  }
0x34: {  	[smem:$0x3FB9] =	sst s10  }
0x35: {  	s10 =	sld [smem:$0x3FB8];
	_ =	sdelay $0x3  }
0x36: {  	p1 =	seq.s32 s10, $0x1;
	s10 =	sld [smem:$0x3FB9];
	_ =	sdelay $0x3  }
0x37: {  	[smem:$0x3FB9] =	sst s10  }
0x38: {  	s10 =	sld [smem:$0x3FBA]  }
0x39: {  	_ = 	snop;
	(pc) =	sbr.ind lr, $3  }
0x3a: {  	_ = 	snop  }
0x3b: {  	_ = 	snop  }
0x3c: {  	p2 =	seq.s32 s10, $0x1;
	s10 =	sld [smem:$0x3FB9]  }
0x3d: {  	_ =	shalt  }
0x3e: {  	_ =	shalt  }
0x3f: {  	_ =	shalt  }
0x40: {  	_ =	shalt  }
0x41: {  	_ =	shalt  }
0x42: {  	_ =	shalt  }
0x43: {  	_ =	shalt  }
0x44: {  	_ =	shalt  }
0x45: {  	_ =	shalt  }
0x46: {  	_ =	shalt  }
0x47: {  	_ =	shalt  }
0x48: {  	_ =	shalt  }
0x49: {  	_ =	shalt  }
0x4a: {  	_ =	shalt  }
0x4b: {  	_ =	shalt  }
0x4c: {  	_ =	shalt  }
0x4d: {  	_ =	shalt  }
0x4e: {  	_ =	shalt  }
0x4f: {  	_ =	shalt  }
0x50: {  	_ =	shalt  }
0x51: {  	_ =	shalt  }
0x52: {  	_ =	shalt  }
0x53: {  	_ =	shalt  }
0x54: {  	_ =	shalt  }
0x55: {  	_ =	shalt  }
0x56: {  	_ =	shalt  }
0x57: {  	_ =	shalt  }
0x58: {  	_ =	shalt  }
0x59: {  	_ =	shalt  }
0x5a: {  	_ =	shalt  }
0x5b: {  	_ =	shalt  }
0x5c: {  	_ =	shalt  }
0x5d: {  	_ =	shalt  }
0x5e: {  	_ =	shalt  }
0x5f: {  	_ =	shalt  }
0x60: {  	_ =	shalt  }
0x61: {  	_ =	shalt  }
0x62: {  	_ =	shalt  }
0x63: {  	_ =	shalt  }
0x64: {  	_ =	shalt  }
0x65: {  	_ =	shalt  }
0x66: {  	_ =	shalt  }
0x67: {  	_ =	shalt  }
0x68: {  	_ =	shalt  }
0x69: {  	_ =	shalt  }
0x6a: {  	_ =	shalt  }
0x6b: {  	_ =	shalt  }
0x6c: {  	_ =	shalt  }
0x6d: {  	_ =	shalt  }
0x6e: {  	_ =	shalt  }
0x6f: {  	_ =	shalt  }
0x70: {  	_ =	shalt  }
0x71: {  	_ =	shalt  }
0x72: {  	_ =	shalt  }
0x73: {  	_ =	shalt  }
0x74: {  	_ =	shalt  }
0x75: {  	_ =	shalt  }
0x76: {  	_ =	shalt  }
0x77: {  	_ =	shalt  }
0x78: {  	_ =	shalt  }
0x79: {  	_ =	shalt  }
0x7a: {  	_ =	shalt  }
0x7b: {  	_ =	shalt  }
0x7c: {  	_ =	shalt  }
0x7d: {  	_ =	shalt  }
0x7e: {  	_ =	shalt  }
0x7f: {  	_ =	shalt  }
0x80: {  	_ =	shalt  }
0x81: {  	_ =	shalt  }
0x82: {  	_ =	shalt  }
0x83: {  	_ =	shalt  }
0x84: {  	_ =	shalt  }
0x85: {  	_ =	shalt  }
0x86: {  	_ =	shalt  }
0x87: {  	_ =	shalt  }
.Lfunc_end0:
.L_simem_size_0:
called_computation_lowered:
.L_overlay_start_0:
0x88: {  	s2 =	sld [smem:$0x3FD9]  }
0x89: {  	s3 =	sld [smem:$0x3FFE];
	_ =	sdelay $0x1  }
0x8a: {  	s1 =	srdreg.scid  }
0x8b: {  	s0 =	sand.u32 $0x1, s1  }
0x8c: {  	s14 =	sshll.u32 s0, $0xA;
	s2 =	sadd.s32 s3, s2  }
0x8d: {  	s2 =	sadd.s32 s2, s14  }
0x8e: {  	[smem:$0x3FC5] =	sst s2  }
0x8f: {  	_ = 	snop  }
0x90: {  	s2 =	sld [smem:$0x3FD0]  }
0x91: {  	s15 =	sld [smem:$0x3FC9]  }
0x92: {  	s4 =	sld [smem:$0x3FC8]  }
0x93: {  	s6 =	simm.s32 $0xA;
	s7 =	simm.s32 $0x10;
	s5 =	sld [smem:$0x3FC7]  }
0x94: {  	[smem:s7], [sflag:s6] =	dma.local [hbm:s2], $0x1  }
0x95: {  	_ =	swait.eq [sflag:s6], $0x1  }
0x96: {  	[sflag:s6] =	ssyncset.done $0x0  }
0x97: {  	[sflag:s6] =	ssyncadd.s32 $0xFFFFFFFF  }
0x98: {  	s16 =	sld [smem:$0x12];
	(tm) =	ssettm $0x1  }
0x99: {  	s17 =	sld [smem:$0x3FFB];
	_ =	sdelay $0x3  }
0x9a: {  	_ =	strace s17  }
0x9b: {  	s6 =	sld [smem:$0x3FFC];
	_ =	sdelay $0x3  }
0x9c: {  	_ =	strace s6  }
0x9d: {  	s6 =	sld [smem:$0x3FFD];
	_ =	sdelay $0x3  }
0x9e: {  	_ =	strace s6  }
0x9f: {  	_ =	strace $0x8FFFFFFF  }
0xa0: {  	s18 =	sld [smem:$0x3FDB];
	_ =	sdelay $0x1  }
0xa1: {  	s19 =	simm.s32 $_scs_section_size  }
0xa2: {  	s8 =	simm.s32 $_size__tile_overlayer_lowered;
	s9 =	simm.s32 $_tile_overlayer_lowered  }
0xa3: {  	s22 =	simm.s32 $0x1BFF;
	s21 =	sshll.u32 s9, $0x1;
	s6 =	sadd.s32 s19, s18  }
0xa4: {  	s10 =	simm.s32 $0x0;
	s20 =	sshll.u32 s8, $0x1;
	s8 =	sadd.s32 s21, s6  }
0xa5: {  	[timem:s10], [sflag:s22] =	dma.local [hbm:s8], s20  }
0xa6: {  	_ =	swait.ge [sflag:s22], s20  }
0xa7: {  	s7 =	ssub.s32 $0x0, s20;
	[sflag:s22] =	ssyncset.done $0x0  }
0xa8: {  	[sflag:s22] =	ssyncadd.s32 s7;
	_ =	sdelay $0x1  }
0xa9: {  	s23 =	simm.s32 $0x1B8B  }
0xaa: {  	_ =	swait.ge [sflag:s23], $0x1  }
0xab: {  	[sflag:s23] =	ssyncset.done $0x0  }
0xac: {  	s25 =	simm.s32 $0x1B8E;
	s24 =	sld [smem:$0x3FFE];
	[sflag:s23] =	ssyncadd.s32 $0xFFFFFFFF  }
0xad: {  	s26 =	simm.s32 $execute0_lowered;
	[smem:$0x3FD2] =	sst s25  }
0xae: {  	s8 =	sshll.u32 s26, $0x1;
	_ =	strace $0x80000046;
	[dreg:$0x1] =	wrdreg $0xFFFFFFFF  }
0xaf: {  	s28 =	simm.s32 $_size_execute0_lowered;
	s6 =	sadd.s32 s6, s8;
	[dreg:$0x0] =	wrdreg $0x0  }
0xb0: {  	s8 =	sshll.u32 s28, $0x1;
	[dreg:$0x2] =	wrdreg s6  }
0xb1: {  	[dreg:$0x3] =	wrdreg s8  }
0xb2: {  	[dreg:$0x4] =	wrdreg $0xC0  }
0xb3: {  	_ =	task [dreg:s10], $0x5FFFF  }
0xb4: {  	[dreg:$0x1] =	wrdreg $0xFFFFFFFF  }
0xb5: {  	[dreg:$0x0] =	wrdreg $0x60  }
0xb6: {  	[dreg:$0x2] =	wrdreg s15  }
0xb7: {  	[dreg:$0x3] =	wrdreg s4  }
0xb8: {  	[dreg:$0x4] =	wrdreg s5  }
0xb9: {  	[dreg:$0x5] =	wrdreg s24  }
0xba: {  	[dreg:$0x6] =	wrdreg s16  }
0xbb: {  	[dreg:$0x7] =	wrdreg $0x9  }
0xbc: {  	_ =	task.clear_ibuf [dreg:s10], $0x8FFFF;
	_ =	strace $0x90000046  }
0xbd: {  	s29 =	simm.s32 $0x9;
	_ =	strace $0x80000048  }
0xbe: {  	_ =	swait.ge [sflag:s29], $0x1  }
0xbf: {  	[sflag:s29] =	ssyncadd.s32 $0xFFFFFFFF  }
0xc0: {  	_ =	strace $0x90000048  }
0xc1: {  	_ =	sfence  }
0xc2: {  	s30 =	sld [smem:$0x0];
	_ =	sdelay $0x2  }
0xc3: {  	s31 =	sshll.u32 s1, $0xD;
	s1 =	sshrl.u32 s1, $0x2  }
0xc4: {  	s3 =	sand.u32 $0x4000, s31;
	s1 =	sadd.s32 s1, s30  }
0xc5: {  	s0 =	sor.u32 s3, s0;
	s1 =	sshll.u32 s1, $0x11  }
0xc6: {  	s0 =	sor.u32 s1, s0  }
0xc7: {  	s0 =	sadd.s32 $0x8F2B, s0  }
0xc8: {  	[sflag:s0] =	ssyncadd.remote.s32 $0x1  }
0xc9: {  	_ =	sfence.sel $0xFFFF  }
0xca: {  	[dreg:$0x0] =	wrdreg $0xFFFFFFFF;
	(pc) =	sbr.abs _section_cstart, $3  }
0xcb: {  	[dreg:$0x1] =	wrdreg $0xFFFFFFFF  }
0xcc: {  	_ =	task.clear_ibuf [dreg:s10], $0x2FFFF;
	_ =	strace $0x9FFFFFFF  }
0xcd: {  	(tm) =	ssettm $0x7FFFFFFF  }
tec
execute0_lowered:
.L_overlay_start_1:
0x0: {  	(tag) =	ssettag $0x1  }
0x1: {  	s1 =	rddreg [dreg:$0x0]  }
0x2: {  	s2 =	rddreg [dreg:$0x1]  }
0x3: {  	s3 =	rddreg [dreg:$0x2]  }
0x4: {  	s7 =	rddreg [dreg:$0x3]  }
0x5: {  	s5 =	rddreg [dreg:$0x4]  }
0x6: {  	s0 =	rddreg [dreg:$0x5]  }
0x7: {  	s8 =	srdreg.scid;
	s4 =	stileid.u32;
	s6 =	simm.s32 $0x0  }
0x8: {  	s14 =	simm.s32 $0x20000;
	s15 =	simm.s32 $0x800;
	s16 =	simm.s32 $0x8800  }
0x9: {  	s17 =	simm.s32 $0x1;
	s18 =	simm.s32 $0x2;
	s20 =	simm.s32 $0x10A00  }
0xa: {  	s21 =	simm.s32 $0x10C00;
	s22 =	simm.s32 $0x0;
	s9 =	sand.u32 $0x1, s8  }
0xb: {  	s30 =	sshll.u32 s4, $0x1;
	[smem:$0x7FF] =	sst s6;
	s12 =	sshll.u32 s4, $0xA  }
0xc: {  	s19 =	sor.u32 s9, s30;
	s31 =	ssub.s32 $0x2, s9;
	_ =	strace $0x80000047  }
.Ltmp0:
0xd: {  	s13 =	sshll.u32 s9, $0x9;
	s10 =	sshll.u32 s19, $0x6;
	(pc) =	sbr.rel .LBB2_1-.Ltmp0, $4  }
0xe: {  	s11 =	sshrl.u32 s31, $0x1;
	p0 =	sne.s32 s19, $0x0;
	s10 =	sadd.s32 s10, s7  }
0xf: {  	s11 =	ssub.s32 s31, s11;
	s7 =	sshll.u32 s19, $0x9;
	s19 =	simm.s32 $0x10800  }
0x10: {  	s8 =	sadd.s32 $0xA00, s10;
	s9 =	sadd.s32 $0x1200, s10;
	s10 =	smax.u32 s11, $0x1  }
0x11: {  	v0 =	vimm.s32 $0x0;
	v1 =	vlaneseq.u32;
	s11 =	sor.u32 s13, s12;
	s12 =	simm.s32 $0x3;
	s13 =	simm.s32 $0x1000  }
.LBB2_10:
0x12: {  	vm0 =	vgt.s32 v2, v3  }
0x13: {  	v2 =	vsel vm0, v2, v3  }
0x14: {  	v2 =	vxor.u32 $0x80000000, v2  }
0x15: {  	(xrf0) =	vmax.scan.msk.u32 $0xffff, v2;
	_ =	sdelay $0x5  }
0x16: {  	v2, _, _ =	vpop (xrf0)  }
0x17: {  	(v2sf) =	vpush v2, $0xF;
	_ =	sdelay $0xe  }
0x18: {  	s23 =	spop (v2sf)  }
0x19: {  	p1 =	sgt.u32 s23, $0x80000000;
	s23 =	simm.f32 $0.0e+00  }
0x1a: {  	s23 =	simm.s32 @!p1 $0x3F800000  }
0x1b: {  	v2 =	vmov s23  }
0x1c: {  	[tilespmem:$0x10C00] =	vst v2  }
0x1d: {  	[hbm4b:s5+s6] =	stream.linear.scatter [tilespmem:s21], [sflag:$0x3], $0x80, $0x38;
	[tilespmem:$0x10C80] =	vst v63  }
0x1e: {  	_ =	swait.ge [sflag:s12], $0x80  }
0x1f: {  	[sflag:s12] =	ssyncset.done $0x0  }
0x20: {  	[sflag:s12] =	ssyncadd.s32 $0xFFFFFF80  }
.LBB2_11:
0x21: {  	s22 =	sadd.s32 $0x1, s22  }
0x22: {  	p1 =	sne.s32 s22, s10  }
.Ltmp1:
0x23: {  	_ = 	snop;
	(pc) =	sbr.rel @!p1 .LBB2_12-.Ltmp1, $1  }
0x24: {  	_ =	sdelay $0x3  }
.LBB2_1:
0x25: {  	[tilespmem:s6], [sflag:$0x3] =	stream.linear.gather [hbm4b:s1+s6], $0x800, $0x38;
	[tilespmem:$0x10C80] =	vst v63  }
0x26: {  	_ =	swait.ge [sflag:s12], $0x800  }
0x27: {  	[sflag:s12] =	ssyncset.done $0x0  }
0x28: {  	[sflag:s12] =	ssyncadd.s32 $0xFFFFF800  }
0x29: {  	[tilespmem:$0x10A00] =	vst v0  }
0x2a: {  	[tilespmem:$0x10A10] =	vst v0  }
0x2b: {  	[tilespmem:$0x10A20] =	vst v0  }
0x2c: {  	[tilespmem:$0x10A30] =	vst v0  }
0x2d: {  	[tilespmem:$0x10A40] =	vst v0  }
0x2e: {  	[tilespmem:$0x10A50] =	vst v0  }
0x2f: {  	[tilespmem:$0x10A60] =	vst v0  }
0x30: {  	[tilespmem:$0x10A70] =	vst v0  }
0x31: {  	[tilespmem:$0x10A80] =	vst v0  }
0x32: {  	[tilespmem:$0x10A90] =	vst v0  }
0x33: {  	[tilespmem:$0x10AA0] =	vst v0  }
0x34: {  	[tilespmem:$0x10AB0] =	vst v0  }
0x35: {  	[tilespmem:$0x10AC0] =	vst v0  }
0x36: {  	[tilespmem:$0x10AD0] =	vst v0  }
0x37: {  	[tilespmem:$0x10AE0] =	vst v0  }
0x38: {  	[tilespmem:$0x10AF0] =	vst v0  }
0x39: {  	[tilespmem:$0x10B00] =	vst v0  }
0x3a: {  	[tilespmem:$0x10B10] =	vst v0  }
0x3b: {  	[tilespmem:$0x10B20] =	vst v0  }
0x3c: {  	[tilespmem:$0x10B30] =	vst v0  }
0x3d: {  	[tilespmem:$0x10B40] =	vst v0  }
0x3e: {  	[tilespmem:$0x10B50] =	vst v0  }
0x3f: {  	[tilespmem:$0x10B60] =	vst v0  }
0x40: {  	[tilespmem:$0x10B70] =	vst v0  }
0x41: {  	[tilespmem:$0x10B80] =	vst v0  }
0x42: {  	[tilespmem:$0x10B90] =	vst v0  }
0x43: {  	[tilespmem:$0x10BA0] =	vst v0  }
0x44: {  	[tilespmem:$0x10BB0] =	vst v0  }
0x45: {  	[tilespmem:$0x10BC0] =	vst v0  }
0x46: {  	[tilespmem:$0x10BD0] =	vst v0  }
0x47: {  	[tilespmem:$0x10BE0] =	vst v0  }
0x48: {  	s23 =	simm.s32 $0x0;
	[tilespmem:$0x10BF0] =	vst v0  }
.LBB2_2:
0x49: {  	s24 =	sshll.u32 s23, $0x11  }
0x4a: {  	s24 =	sor.u32 s7, s24  }
0x4b: {  	s25 =	sadd.s32 s2, s24  }
0x4c: {  	[tilespmem:s15], [sflag:$0x1] =	stream.strided.gather [hbm4b:s25+s13], $0x8000, s14, s13, $0x38;
	[tilespmem:$0x10C80] =	vst v63  }
0x4d: {  	s24 =	sadd.s32 s3, s24  }
0x4e: {  	[tilespmem:s16], [sflag:$0x2] =	stream.strided.gather [hbm4b:s24+s13], $0x8000, s14, s13, $0x38;
	[tilespmem:$0x10C80] =	vst v63  }
0x4f: {  	_ =	swait.ge [sflag:s17], $0x8000  }
0x50: {  	[sflag:s17] =	ssyncset.done $0x0  }
0x51: {  	[sflag:s17] =	ssyncadd.s32 $0xFFFF8000  }
0x52: {  	_ =	swait.ge [sflag:s18], $0x8000  }
0x53: {  	s26 =	simm.s32 $0x0;
	[sflag:s18] =	ssyncset.done $0x0  }
0x54: {  	s25 =	simm.s32 $0x10A00;
	s24 =	simm.s32 $0x0;
	[sflag:s18] =	ssyncadd.s32 $0xFFFF8000  }
.LBB2_3:
0x55: {  	s28 =	sand.u32 $0x70, s26;
	s29 =	sand.u32 $0xC00, s24  }
0x56: {  	s28 =	sor.u32 s28, s29  }
0x57: {  	v2 =	vld [tilespmem:s28+$0x800]  }
0x58: {  	v3 =	vld [tilespmem:s28+$0x880]  }
0x59: {  	v4 =	vld [tilespmem:s28+$0x900]  }
0x5a: {  	v5 =	vld [tilespmem:s28+$0x8800]  }
0x5b: {  	v9 =	vld [tilespmem:s28+$0x8880]  }
0x5c: {  	v58 =	vld [tilespmem:s28+$0xA00]  }
0x5d: {  	v15 =	vld [tilespmem:s28+$0x8900]  }
0x5e: {  	v59 =	vld [tilespmem:s28+$0xA80]  }
0x5f: {  	v60 =	vld [tilespmem:s28+$0xB00]  }
0x60: {  	v21 =	vld [tilespmem:s28+$0x8A00]  }
0x61: {  	v27 =	vld [tilespmem:s28+$0x8A80]  }
0x62: {  	v62 =	vld [tilespmem:s28+$0x1800]  }
0x63: {  	v41 =	vld [tilespmem:s28+$0x8B00]  }
0x64: {  	v63 =	vld [tilespmem:s28+$0x1880]  }
0x65: {  	v10 =	vld [tilespmem:s28+$0x1900]  }
0x66: {  	v45 =	vld [tilespmem:s28+$0x9800]  }
0x67: {  	v47 =	vld [tilespmem:s28+$0x9880]  }
0x68: {  	v12 =	vld [tilespmem:s28+$0x1A00]  }
0x69: {  	v32 =	vld [tilespmem:s28+$0x9900]  }
0x6a: {  	v14 =	vld [tilespmem:s28+$0x1A80]  }
0x6b: {  	v18 =	vld [tilespmem:s28+$0x1B00]  }
0x6c: {  	v33 =	vld [tilespmem:s28+$0x9A00]  }
0x6d: {  	v36 =	vld [tilespmem:s28+$0x9A80]  }
0x6e: {  	v22 =	vld [tilespmem:s28+$0x2800]  }
0x6f: {  	s31 =	sand.u32 $0xFFFFFC00, s24;
	v34 =	vld [tilespmem:s28+$0x9B00]  }
0x70: {  	s30 =	sadd.s32 s31, s26;
	v23 =	vld [tilespmem:s28+$0x2880]  }
0x71: {  	s29 =	sor.u32 $0x180, s30;
	v49 =	vld [tilespmem:s28+$0x2900];
	v2 =	vshrl.u32 v2, $0x3  }
0x72: {  	v6 =	vld [tilespmem:s29+$0x800];
	v3 =	vshrl.u32 v3, $0x3  }
0x73: {  	v24 =	vld [tilespmem:s28+$0xA800]  }
0x74: {  	v51 =	vld [tilespmem:s28+$0x2A00]  }
0x75: {  	v52 =	vld [tilespmem:s28+$0x2A80]  }
0x76: {  	v8 =	vld.idx.msk [tilespmem:v2+s6+$0x0], $0xffff;
	v2 =	vshrl.u32 v4, $0x3  }
0x77: {  	v13 =	vld.idx.msk [tilespmem:v3+s6+$0x0], $0xffff;
	v3 =	vshrl.u32 v6, $0x3  }
0x78: {  	v17 =	vld [tilespmem:s29+$0x8800];
	s29 =	sor.u32 s26, s24  }
0x79: {  	v53 =	vld [tilespmem:s28+$0x2B00];
	s31 =	sor.u32 $0x380, s29  }
0x7a: {  	v61 =	vld [tilespmem:s31+$0x800]  }
0x7b: {  	v16 =	vld.idx.msk [tilespmem:v2+s6+$0x0], $0xffff;
	v2 =	vshrl.u32 v58, $0x3  }
0x7c: {  	v20 =	vld.idx.msk [tilespmem:v3+s6+$0x0], $0xffff;
	v3 =	vshrl.u32 v59, $0x3  }
0x7d: {  	v43 =	vld [tilespmem:s31+$0x8800];
	s31 =	sor.u32 $0x1180, s30  }
0x7e: {  	v11 =	vld [tilespmem:s31+$0x800]  }
0x7f: {  	v31 =	vld [tilespmem:s31+$0x8800]  }
0x80: {  	v25 =	vld.idx.msk [tilespmem:v2+s6+$0x0], $0xffff;
	v2 =	vshrl.u32 v60, $0x3  }
0x81: {  	s31 =	sor.u32 $0x1380, s29;
	v29 =	vld.idx.msk [tilespmem:v3+s6+$0x0], $0xffff;
	v3 =	vshrl.u32 v61, $0x3  }
0x82: {  	v19 =	vld [tilespmem:s31+$0x800]  }
0x83: {  	v28 =	vld [tilespmem:s31+$0x8800]  }
0x84: {  	vm0 =	vgt.f32 v5, $5.000000000e-01;
	v5 =	vld [tilespmem:s28+$0xB800]  }
0x85: {  	v42 =	vld.idx.msk [tilespmem:v2+s6+$0x0], $0xffff;
	v2 =	vshrl.u32 v62, $0x3  }
0x86: {  	v44 =	vld.idx.msk [tilespmem:v3+s6+$0x0], $0xffff;
	v3 =	vshrl.u32 v63, $0x3  }
0x87: {  	vm12 =	vgt.f32 v15, $5.000000000e-01;
	v15 =	vld [tilespmem:s28+$0xB900]  }
0x88: {  	s31 =	sor.u32 $0x2180, s30;
	vm5 =	vgt.f32 v21, $5.000000000e-01;
	v21 =	vld [tilespmem:s28+$0xBA00]  }
0x89: {  	v50 =	vld [tilespmem:s31+$0x800];
	v4 =	vshrl.u32 v53, $0x3  }
0x8a: {  	v46 =	vld.idx.msk [tilespmem:v2+s6+$0x0], $0xffff;
	v2 =	vshrl.u32 v10, $0x3  }
0x8b: {  	v48 =	vld.idx.msk [tilespmem:v3+s6+$0x0], $0xffff;
	v3 =	vshrl.u32 v11, $0x3  }
0x8c: {  	v6 =	vld [tilespmem:s28+$0xAA80]  }
0x8d: {  	vm10 =	vgt.f32 v9, $5.000000000e-01;
	v53 =	vld [tilespmem:s28+$0x3B00];
	vm1 =	vgt.s32 v8, $0x0  }
0x8e: {  	vm14 =	vgt.f32 v17, $5.000000000e-01;
	v4 =	vld.idx.msk [tilespmem:v4+s6+$0x0], $0xffff;
	vm2 =	vgt.s32 v13, $0x0;
	vm0 =	vmand vm0, vm1  }
0x8f: {  	vm11 =	vmand vm10, vm2;
	v54 =	vsel vm0, $0x1, v0;
	v40 =	vld.idx.msk [tilespmem:v2+s6+$0x0], $0xffff;
	v2 =	vshrl.u32 v12, $0x3  }
0x90: {  	v55 =	vsel vm11, $0x1, v0;
	vm13 =	vgt.s32 v16, $0x0;
	v39 =	vld.idx.msk [tilespmem:v3+s6+$0x0], $0xffff;
	v3 =	vshrl.u32 v14, $0x3  }
0x91: {  	v9 =	vadd.s32 v54, v55;
	vm15 =	vgt.s32 v20, $0x0;
	v61 =	vld [tilespmem:s28+$0x3A00];
	vm0 =	vmand vm12, vm13  }
0x92: {  	vm4 =	vmand vm14, vm15;
	vm14 =	vgt.f32 v45, $5.000000000e-01;
	v45 =	vld [tilespmem:s28+$0x4880];
	v58 =	vsel vm0, $0x1, v0  }
0x93: {  	v16 =	vadd.s32 v58, v9;
	v9 =	vld [tilespmem:s28+$0xB880]  }
0x94: {  	v38 =	vld.idx.msk [tilespmem:v2+s6+$0x0], $0xffff;
	v2 =	vshrl.u32 v18, $0x3  }
0x95: {  	v37 =	vld.idx.msk [tilespmem:v3+s6+$0x0], $0xffff;
	v3 =	vshrl.u32 v19, $0x3  }
0x96: {  	vm9 =	vgt.f32 v41, $5.000000000e-01;
	v10 =	vld [tilespmem:s28+$0xAA00];
	vm10 =	vgt.s32 v42, $0x0  }
0x97: {  	vm11 =	vmand vm9, vm10;
	vm9 =	vgt.f32 v31, $5.000000000e-01;
	v31 =	vld [tilespmem:s28+$0xBB00]  }
0x98: {  	v12 =	vld [tilespmem:s31+$0x8800]  }
0x99: {  	v35 =	vld.idx.msk [tilespmem:v2+s6+$0x0], $0xffff;
	v2 =	vshrl.u32 v22, $0x3  }
0x9a: {  	v60 =	vsel vm4, $0x1, v0;
	vm6 =	vgt.s32 v25, $0x0;
	v30 =	vld.idx.msk [tilespmem:v3+s6+$0x0], $0xffff;
	v3 =	vshrl.u32 v23, $0x3  }
0x9b: {  	vm4 =	vgt.f32 v47, $5.000000000e-01;
	vm0 =	vmand vm5, vm6;
	vm5 =	vgt.s32 v48, $0x0;
	v48 =	vld [tilespmem:s28+$0x4900]  }
0x9c: {  	vm6 =	vmand vm4, vm5;
	vm4 =	vgt.f32 v34, $5.000000000e-01;
	v34 =	vld [tilespmem:s28+$0xC800]  }
0x9d: {  	v20 =	vadd.s32 v60, v16;
	v60 =	vsel vm6, $0x1, v0;
	vm6 =	vgt.f32 v28, $5.000000000e-01;
	v28 =	vld [tilespmem:s28+$0xC880]  }
0x9e: {  	v26 =	vld.idx.msk [tilespmem:v2+s6+$0x0], $0xffff;
	v2 =	vshrl.u32 v49, $0x3  }
0x9f: {  	v23 =	vld.idx.msk [tilespmem:v3+s6+$0x0], $0xffff;
	v3 =	vshrl.u32 v50, $0x3  }
0xa0: {  	s31 =	sor.u32 $0x2380, s29;
	v18 =	vld [tilespmem:s28+$0xA900]  }
0xa1: {  	v49 =	vld [tilespmem:s31+$0x800]  }
0xa2: {  	v50 =	vld [tilespmem:s28+$0x3800]  }
0xa3: {  	v19 =	vld.idx.msk [tilespmem:v2+s6+$0x0], $0xffff;
	v2 =	vshrl.u32 v51, $0x3  }
0xa4: {  	v14 =	vld.idx.msk [tilespmem:v3+s6+$0x0], $0xffff;
	v3 =	vshrl.u32 v52, $0x3  }
0xa5: {  	v22 =	vld [tilespmem:s28+$0xA880]  }
0xa6: {  	v51 =	vld [tilespmem:s28+$0x3880]  }
0xa7: {  	v49 =	vshrl.u32 v49, $0x3;
	v52 =	vld [tilespmem:s28+$0x3900]  }
0xa8: {  	v50 =	vshrl.u32 v50, $0x3;
	v11 =	vld.idx.msk [tilespmem:v2+s6+$0x0], $0xffff  }
0xa9: {  	v7 =	vld.idx.msk [tilespmem:v3+s6+$0x0], $0xffff  }
0xaa: {  	v2 =	vld [tilespmem:s28+$0xAB00]  }
0xab: {  	v42 =	vshrl.u32 v53, $0x3;
	v3 =	vld [tilespmem:s31+$0x8800]  }
0xac: {  	v8 =	vld.idx.msk [tilespmem:v49+s6+$0x0], $0xffff  }
0xad: {  	vm7 =	vgt.f32 v27, $5.000000000e-01;
	vm8 =	vgt.s32 v29, $0x0;
	v13 =	vld.idx.msk [tilespmem:v50+s6+$0x0], $0xffff  }
0xae: {  	vm12 =	vgt.f32 v43, $5.000000000e-01;
	v62 =	vsel vm0, $0x1, v0;
	vm0 =	vmand vm7, vm8;
	v49 =	vld [tilespmem:s28+$0x3A80]  }
0xaf: {  	vm13 =	vgt.s32 v44, $0x0;
	v56 =	vshrl.u32 v51, $0x3;
	v51 =	vshrl.u32 v61, $0x3;
	v61 =	vld [tilespmem:s28+$0x4800]  }
0xb0: {  	v50 =	vsel vm0, $0x1, v0;
	vm0 =	vmand vm12, vm13;
	vm12 =	vgt.s32 v38, $0x0;
	v38 =	vld.idx.msk [tilespmem:v42+s6+$0x0], $0xffff  }
0xb1: {  	vm7 =	vgt.f32 v32, $5.000000000e-01;
	v25 =	vadd.s32 v62, v20;
	s31 =	sor.u32 $0x3180, s30;
	v42 =	vld [tilespmem:s28+$0x5880]  }
0xb2: {  	vm15 =	vgt.s32 v46, $0x0;
	vm8 =	vgt.s32 v40, $0x0;
	vm10 =	vgt.s32 v39, $0x0;
	v57 =	vld [tilespmem:s31+$0x800]  }
0xb3: {  	v59 =	vshrl.u32 v52, $0x3;
	v52 =	vsel vm11, $0x1, v0;
	vm11 =	vgt.f32 v33, $5.000000000e-01;
	v17 =	vld [tilespmem:s31+$0x8800]  }
0xb4: {  	v25 =	vadd.s32 v50, v25;
	s31 =	sor.u32 $0x3380, s29;
	vm13 =	vmand vm11, vm12;
	vm11 =	vgt.f32 v22, $5.000000000e-01;
	v22 =	vld [tilespmem:s28+$0xC900]  }
0xb5: {  	v55 =	vsel vm0, $0x1, v0;
	vm0 =	vmand vm14, vm15;
	v54 =	vadd.s32 v52, v25;
	v33 =	vld [tilespmem:s31+$0x8800]  }
0xb6: {  	vm14 =	vgt.f32 v36, $5.000000000e-01;
	vm15 =	vgt.s32 v37, $0x0;
	v27 =	vadd.s32 v55, v54;
	v54 =	vld [tilespmem:s28+$0x4A00]  }
0xb7: {  	v50 =	vshrl.u32 v45, $0x3;
	v37 =	vshrl.u32 v48, $0x3;
	v58 =	vsel vm0, $0x1, v0;
	v16 =	vld.idx.msk [tilespmem:v56+s6+$0x0], $0xffff  }
0xb8: {  	vm0 =	vmand vm7, vm8;
	v47 =	vsel vm13, $0x1, v0;
	vm7 =	vgt.s32 v30, $0x0;
	v20 =	vld.idx.msk [tilespmem:v59+s6+$0x0], $0xffff  }
0xb9: {  	vm13 =	vgt.f32 v18, $5.000000000e-01;
	v62 =	vsel vm0, $0x1, v0;
	vm0 =	vmand vm9, vm10;
	v29 =	vld.idx.msk [tilespmem:v51+s6+$0x0], $0xffff  }
0xba: {  	vm8 =	vmand vm6, vm7;
	v46 =	vsel vm0, $0x1, v0;
	v59 =	vadd.s32 v58, v27;
	v27 =	vld [tilespmem:s28+$0xBA80]  }
0xbb: {  	vm0 =	vmand vm14, vm15;
	vm14 =	vgt.s32 v19, $0x0;
	vm7 =	vgt.s32 v11, $0x0;
	v11 =	vld [tilespmem:s28+$0xCA00]  }
0xbc: {  	vm15 =	vmand vm13, vm14;
	vm14 =	vgt.s32 v8, $0x0;
	v8 =	vld [tilespmem:s28+$0xCB00]  }
0xbd: {  	v63 =	vshrl.u32 v57, $0x3;
	v57 =	vld [tilespmem:s31+$0x800]  }
0xbe: {  	vm5 =	vgt.s32 v35, $0x0;
	v56 =	vshrl.u32 v49, $0x3;
	v35 =	vld.idx.msk [tilespmem:v50+s6+$0x0], $0xffff  }
0xbf: {  	vm12 =	vgt.s32 v23, $0x0;
	vm9 =	vgt.f32 v24, $5.000000000e-01;
	v40 =	vshrl.u32 v61, $0x3;
	v19 =	vld.idx.msk [tilespmem:v37+s6+$0x0], $0xffff  }
0xc0: {  	vm10 =	vgt.s32 v26, $0x0;
	vm6 =	vgt.f32 v10, $5.000000000e-01;
	v41 =	vadd.s32 v60, v59;
	s31 =	sor.u32 $0x4180, s30;
	v60 =	vld [tilespmem:s28+$0x4B00]  }
0xc1: {  	v49 =	vsel vm0, $0x1, v0;
	vm0 =	vmand vm4, vm5;
	v41 =	vadd.s32 v62, v41;
	v51 =	vld [tilespmem:s31+$0x800]  }
0xc2: {  	vm4 =	vgt.f32 v12, $5.000000000e-01;
	vm5 =	vgt.s32 v14, $0x0;
	v41 =	vadd.s32 v46, v41;
	v46 =	vld [tilespmem:s28+$0x5900]  }
0xc3: {  	vm13 =	vgt.f32 v3, $5.000000000e-01;
	v52 =	vsel vm0, $0x1, v0;
	vm0 =	vmand vm9, vm10;
	v32 =	vld.idx.msk [tilespmem:v56+s6+$0x0], $0xffff  }
0xc4: {  	v55 =	vsel vm0, $0x1, v0;
	vm0 =	vmand vm11, vm12;
	vm11 =	vgt.f32 v2, $5.000000000e-01;
	v30 =	vld.idx.msk [tilespmem:v40+s6+$0x0], $0xffff  }
0xc5: {  	v58 =	vsel vm0, $0x1, v0;
	vm0 =	vmand vm4, vm5;
	v41 =	vadd.s32 v47, v41;
	v40 =	vld [tilespmem:s28+$0x5800]  }
0xc6: {  	v61 =	vsel vm0, $0x1, v0;
	vm0 =	vmand vm6, vm7;
	vm7 =	vgt.s32 v16, $0x0;
	v16 =	vld [tilespmem:s28+$0xD800]  }
0xc7: {  	vm12 =	vgt.s32 v4, $0x0;
	v26 =	vshrl.u32 v54, $0x3;
	v39 =	vadd.s32 v49, v41;
	v25 =	vld.idx.msk [tilespmem:v63+s6+$0x0], $0xffff  }
0xc8: {  	v37 =	vsel vm0, $0x1, v0;
	vm0 =	vmand vm11, vm12;
	v63 =	vshrl.u32 v57, $0x3;
	v57 =	vld [tilespmem:s28+$0x4A80]  }
0xc9: {  	v41 =	vsel vm0, $0x1, v0;
	vm0 =	vmand vm13, vm14;
	vm13 =	vgt.f32 v21, $5.000000000e-01;
	v21 =	vld [tilespmem:s28+$0xD900]  }
0xca: {  	v14 =	vshrl.u32 v60, $0x3;
	v60 =	vld [tilespmem:s28+$0xDA00]  }
0xcb: {  	v53 =	vsel vm8, $0x1, v0;
	vm8 =	vgt.f32 v6, $5.000000000e-01;
	vm14 =	vgt.s32 v29, $0x0;
	v29 =	vld [tilespmem:s28+$0x7880]  }
0xcc: {  	vm9 =	vgt.s32 v7, $0x0;
	v39 =	vadd.s32 v52, v39;
	v56 =	vshrl.u32 v51, $0x3;
	v51 =	vld [tilespmem:s28+$0xD880]  }
0xcd: {  	vm10 =	vmand vm8, vm9;
	v24 =	vadd.s32 v53, v39;
	v53 =	vld [tilespmem:s28+$0x5A00]  }
0xce: {  	vm8 =	vgt.f32 v15, $5.000000000e-01;
	vm6 =	vgt.f32 v9, $5.000000000e-01;
	vm9 =	vgt.s32 v20, $0x0;
	v39 =	vld.idx.msk [tilespmem:v26+s6+$0x0], $0xffff  }
0xcf: {  	v43 =	vsel vm0, $0x1, v0;
	vm0 =	vmand vm6, vm7;
	v24 =	vadd.s32 v55, v24;
	v55 =	vld [tilespmem:s28+$0x5A80]  }
0xd0: {  	v48 =	vsel vm0, $0x1, v0;
	vm0 =	vmand vm8, vm9;
	vm8 =	vgt.f32 v33, $5.000000000e-01;
	v33 =	vld [tilespmem:s28+$0x6800]  }
0xd1: {  	v18 =	vadd.s32 v58, v24;
	v24 =	vld [tilespmem:s31+$0x8800]  }
0xd2: {  	v58 =	vld [tilespmem:s28+$0x5B00]  }
0xd3: {  	s31 =	sor.u32 $0x4380, s29;
	v50 =	vsel vm0, $0x1, v0;
	vm0 =	vmand vm13, vm14;
	vm13 =	vgt.s32 v35, $0x0;
	v35 =	vld [tilespmem:s28+$0xDB00]  }
0xd4: {  	v59 =	vsel vm15, $0x1, v0;
	vm15 =	vgt.f32 v5, $5.000000000e-01;
	v5 =	vld [tilespmem:s31+$0x8800]  }
0xd5: {  	v36 =	vld.idx.msk [tilespmem:v63+s6+$0x0], $0xffff  }
0xd6: {  	v63 =	vld [tilespmem:s31+$0x800]  }
0xd7: {  	v12 =	vadd.s32 v59, v18;
	v44 =	vld.idx.msk [tilespmem:v14+s6+$0x0], $0xffff  }
0xd8: {  	vm4 =	vgt.s32 v13, $0x0;
	v12 =	vadd.s32 v61, v12;
	v10 =	vld.idx.msk [tilespmem:v56+s6+$0x0], $0xffff  }
0xd9: {  	v2 =	vsel vm10, $0x1, v0;
	vm5 =	vmand vm15, vm4;
	s31 =	sor.u32 $0x5180, s30;
	v6 =	vadd.s32 v37, v12;
	v12 =	vld [tilespmem:s28+$0xCA80]  }
0xda: {  	v45 =	vsel vm5, $0x1, v0;
	vm5 =	vgt.f32 v31, $5.000000000e-01;
	vm6 =	vgt.s32 v38, $0x0;
	v49 =	vld [tilespmem:s31+$0x800]  }
0xdb: {  	vm10 =	vgt.f32 v17, $5.000000000e-01;
	vm15 =	vgt.f32 v27, $5.000000000e-01;
	vm7 =	vmand vm5, vm6;
	v23 =	vld [tilespmem:s31+$0x8800]  }
0xdc: {  	v4 =	vshrl.u32 v40, $0x3;
	v54 =	vsel vm0, $0x1, v0;
	vm4 =	vgt.s32 v32, $0x0;
	v37 =	vld [tilespmem:s28+$0x6880]  }
0xdd: {  	v62 =	vshrl.u32 v57, $0x3;
	vm11 =	vgt.s32 v25, $0x0;
	v20 =	vshrl.u32 v53, $0x3;
	s31 =	sor.u32 $0x5380, s29;
	v53 =	vld [tilespmem:s28+$0xE900]  }
0xde: {  	v14 =	vshrl.u32 v46, $0x3;
	vm0 =	vmand vm15, vm4;
	v57 =	vsel vm7, $0x1, v0;
	v61 =	vld [tilespmem:s31+$0x800]  }
0xdf: {  	vm15 =	vgt.f32 v22, $5.000000000e-01;
	vm4 =	vgt.s32 v19, $0x0;
	vm12 =	vmand vm10, vm11;
	v40 =	vld [tilespmem:s31+$0x8800]  }
0xe0: {  	vm7 =	vgt.f32 v11, $5.000000000e-01;
	v52 =	vsel vm12, $0x1, v0;
	vm12 =	vgt.f32 v28, $5.000000000e-01;
	v28 =	vld [tilespmem:s28+$0xEB00]  }
0xe1: {  	v56 =	vsel vm0, $0x1, v0;
	vm10 =	vgt.f32 v34, $5.000000000e-01;
	v26 =	vshrl.u32 v58, $0x3;
	v58 =	vld [tilespmem:s28+$0x6B00]  }
0xe2: {  	vm11 =	vgt.s32 v30, $0x0;
	v2 =	vadd.s32 v2, v6;
	vm5 =	vgt.f32 v24, $5.000000000e-01;
	v24 =	vld [tilespmem:s28+$0x7800]  }
0xe3: {  	v6 =	vshrl.u32 v42, $0x3;
	v19 =	vshrl.u32 v33, $0x3;
	v2 =	vadd.s32 v41, v2;
	v4 =	vld.idx.msk [tilespmem:v4+s6+$0x0], $0xffff  }
0xe4: {  	vm14 =	vmand vm12, vm13;
	vm12 =	vgt.f32 v8, $5.000000000e-01;
	v8 =	vshrl.u32 v29, $0x3;
	v3 =	vld.idx.msk [tilespmem:v62+s6+$0x0], $0xffff  }
0xe5: {  	v2 =	vadd.s32 v43, v2;
	v32 =	vsel vm14, $0x1, v0;
	vm14 =	vgt.f32 v5, $5.000000000e-01;
	v14 =	vld.idx.msk [tilespmem:v14+s6+$0x0], $0xffff  }
0xe6: {  	v18 =	vshrl.u32 v63, $0x3;
	v2 =	vadd.s32 v45, v2;
	vm9 =	vgt.s32 v36, $0x0;
	v63 =	vld [tilespmem:s28+$0xDA80]  }
0xe7: {  	s31 =	sor.u32 $0x6180, s30;
	vm13 =	vgt.s32 v44, $0x0;
	v44 =	vld [tilespmem:s28+$0xE800];
	v2 =	vadd.s32 v48, v2;
	v15 =	vshrl.u32 v49, $0x3  }
0xe8: {  	v45 =	vld [tilespmem:s31+$0x800];
	vm0 =	vmand vm8, vm9;
	vm6 =	vgt.s32 v10, $0x0;
	vm8 =	vgt.s32 v39, $0x0  }
0xe9: {  	v20 =	vld.idx.msk [tilespmem:v20+s6+$0x0], $0xffff;
	v22 =	vshrl.u32 v37, $0x3;
	v2 =	vadd.s32 v50, v2;
	v59 =	vsel vm0, $0x1, v0  }
0xea: {  	s30 =	sor.u32 $0x7180, s30;
	v48 =	vld [tilespmem:s28+$0xE880];
	vm0 =	vmand vm10, vm11;
	v36 =	vshrl.u32 v61, $0x3;
	vm9 =	vmand vm7, vm8  }
0xeb: {  	v37 =	vld [tilespmem:s30+$0x800];
	vm10 =	vgt.f32 v12, $5.000000000e-01;
	vm7 =	vgt.f32 v51, $5.000000000e-01;
	v2 =	vadd.s32 v52, v2  }
0xec: {  	v6 =	vld.idx.msk [tilespmem:v6+s6+$0x0], $0xffff;
	v62 =	vsel vm0, $0x1, v0;
	vm0 =	vmand vm15, vm4;
	v41 =	vsel vm9, $0x1, v0  }
0xed: {  	v50 =	vld [tilespmem:s28+$0x6A00];
	vm9 =	vgt.f32 v21, $5.000000000e-01;
	v11 =	vshrl.u32 v24, $0x3;
	v2 =	vadd.s32 v54, v2  }
0xee: {  	v61 =	vld [tilespmem:s28+$0xEA00];
	v34 =	vsel vm0, $0x1, v0;
	vm0 =	vmand vm5, vm6;
	vm5 =	vgt.f32 v16, $5.000000000e-01  }
0xef: {  	vm6 =	vgt.s32 v4, $0x0;
	v47 =	vld.idx.msk [tilespmem:v18+s6+$0x0], $0xffff;
	v2 =	vadd.s32 v56, v2;
	v18 =	vshrl.u32 v55, $0x3  }
0xf0: {  	v39 =	vld.idx.msk [tilespmem:v26+s6+$0x0], $0xffff;
	v38 =	vsel vm0, $0x1, v0;
	vm11 =	vgt.s32 v3, $0x0;
	v12 =	vshrl.u32 v45, $0x3  }
0xf1: {  	v26 =	vld [tilespmem:s28+$0xEA80];
	vm3 =	vgt.f32 v63, $5.000000000e-01;
	v63 =	vshrl.u32 v58, $0x3;
	v2 =	vadd.s32 v57, v2  }
0xf2: {  	v8 =	vld.idx.msk [tilespmem:v8+s6+$0x0], $0xffff;
	vm0 =	vmand vm10, vm11;
	vm10 =	vgt.s32 v14, $0x0;
	v2 =	vadd.s32 v59, v2  }
0xf3: {  	v54 =	vld [tilespmem:s28+$0x6A80];
	v43 =	vsel vm0, $0x1, v0;
	vm0 =	vmand vm12, vm13;
	vm8 =	vgt.s32 v6, $0x0  }
0xf4: {  	v3 =	vld [tilespmem:s28+$0x6900];
	vm11 =	vmand vm9, vm10;
	v4 =	vshrl.u32 v50, $0x3;
	vm12 =	vgt.f32 v23, $5.000000000e-01  }
0xf5: {  	v56 =	vld [tilespmem:s31+$0x8800];
	vm9 =	vgt.f32 v35, $5.000000000e-01;
	v6 =	vshrl.u32 v37, $0x3;
	v2 =	vadd.s32 v62, v2  }
0xf6: {  	v45 =	vld [tilespmem:s28+$0x7B00];
	v46 =	vsel vm0, $0x1, v0;
	vm0 =	vmand vm5, vm6;
	v57 =	vsel vm11, $0x1, v0  }
0xf7: {  	v15 =	vld.idx.msk [tilespmem:v15+s6+$0x0], $0xffff;
	vm10 =	vgt.s32 v39, $0x0;
	v2 =	vadd.s32 v32, v2;
	v52 =	vsel vm0, $0x1, v0  }
0xf8: {  	v51 =	vld.idx.msk [tilespmem:v22+s6+$0x0], $0xffff;
	vm0 =	vmand vm7, vm8;
	v17 =	vshrl.u32 v54, $0x3;
	vm11 =	vmand vm9, vm10  }
0xf9: {  	s31 =	sor.u32 $0x6380, s29;
	v42 =	vld.idx.msk [tilespmem:v36+s6+$0x0], $0xffff;
	v2 =	vadd.s32 v34, v2;
	vm15 =	vgt.s32 v47, $0x0;
	v3 =	vshrl.u32 v3, $0x3  }
0xfa: {  	v59 =	vld [tilespmem:s31+$0x800];
	v55 =	vsel vm0, $0x1, v0;
	v27 =	vsel vm11, $0x1, v0;
	vm9 =	vgt.f32 v56, $5.000000000e-01  }
0xfb: {  	v35 =	vld [tilespmem:s28+$0xF800];
	vm11 =	vgt.f32 v61, $5.000000000e-01;
	v14 =	vshrl.u32 v45, $0x3;
	v2 =	vadd.s32 v38, v2  }
0xfc: {  	v39 =	vld [tilespmem:s28+$0x7A00];
	vm4 =	vmand vm14, vm15;
	vm13 =	vgt.s32 v15, $0x0;
	vm14 =	vgt.f32 v60, $5.000000000e-01  }
0xfd: {  	v18 =	vld.idx.msk [tilespmem:v18+s6+$0x0], $0xffff;
	vm15 =	vgt.s32 v20, $0x0;
	vm5 =	vgt.s32 v51, $0x0;
	v2 =	vadd.s32 v41, v2  }
0xfe: {  	v47 =	vld.idx.msk [tilespmem:v19+s6+$0x0], $0xffff;
	v49 =	vsel vm4, $0x1, v0;
	vm0 =	vmand vm12, vm13;
	vm6 =	vmand vm14, vm15  }
0xff: {  	v12 =	vld.idx.msk [tilespmem:v12+s6+$0x0], $0xffff;
	v19 =	vshrl.u32 v59, $0x3;
	vm12 =	vgt.f32 v40, $5.000000000e-01;
	vm13 =	vgt.s32 v42, $0x0  }
0x100: {  	v10 =	vld.idx.msk [tilespmem:v63+s6+$0x0], $0xffff;
	vm14 =	vgt.f32 v44, $5.000000000e-01;
	vm4 =	vgt.f32 v48, $5.000000000e-01;
	v2 =	vadd.s32 v43, v2  }
0x101: {  	v11 =	vld.idx.msk [tilespmem:v11+s6+$0x0], $0xffff;
	v60 =	vsel vm0, $0x1, v0;
	v62 =	vsel vm6, $0x1, v0;
	vm0 =	vmand vm12, vm13  }
0x102: {  	v38 =	vld [tilespmem:s28+$0xF880];
	vm6 =	vgt.f32 v53, $5.000000000e-01;
	v2 =	vadd.s32 v46, v2;
	v30 =	vsel vm0, $0x1, v0  }
0x103: {  	vm0 =	vmand vm4, vm5;
	vm4 =	vgt.f32 v28, $5.000000000e-01;
	v46 =	vshrl.u32 v39, $0x3;
	v3 =	vld.idx.msk [tilespmem:v3+s6+$0x0], $0xffff  }
0x104: {  	v4 =	vld.idx.msk [tilespmem:v4+s6+$0x0], $0xffff;
	v2 =	vadd.s32 v49, v2;
	vm7 =	vgt.s32 v18, $0x0;
	vm15 =	vgt.s32 v47, $0x0  }
0x105: {  	v42 =	vld [tilespmem:s28+$0x7A80];
	v34 =	vsel vm0, $0x1, v0;
	vm10 =	vgt.s32 v12, $0x0;
	vm5 =	vgt.s32 v10, $0x0  }
0x106: {  	v44 =	vld [tilespmem:s28+$0xF900];
	v2 =	vadd.s32 v52, v2;
	vm8 =	vmand vm3, vm7;
	vm1 =	vmand vm14, vm15  }
0x107: {  	v17 =	vld.idx.msk [tilespmem:v17+s6+$0x0], $0xffff;
	vm0 =	vmand vm9, vm10;
	vm14 =	vgt.f32 v26, $5.000000000e-01;
	vm9 =	vgt.f32 v35, $5.000000000e-01  }
0x108: {  	s29 =	sor.u32 $0x7380, s29;
	vm10 =	vgt.s32 v11, $0x0;
	v2 =	vadd.s32 v55, v2;
	vm7 =	vgt.s32 v3, $0x0;
	v3 =	vld [tilespmem:s28+$0x7900]  }
0x109: {  	v47 =	vld [tilespmem:s29+$0x800];
	v25 =	vsel vm8, $0x1, v0;
	v31 =	vsel vm1, $0x1, v0;
	vm12 =	vgt.s32 v4, $0x0  }
0x10a: {  	v49 =	vld [tilespmem:s30+$0x8800];
	v40 =	vsel vm0, $0x1, v0;
	v50 =	vshrl.u32 v42, $0x3;
	v2 =	vadd.s32 v57, v2  }
0x10b: {  	v58 =	vld.idx.msk [tilespmem:v14+s6+$0x0], $0xffff;
	vm13 =	vmand vm11, vm12;
	vm11 =	vgt.f32 v38, $5.000000000e-01;
	vm12 =	vgt.s32 v8, $0x0  }
0x10c: {  	v32 =	vld [tilespmem:s31+$0x8800];
	v2 =	vadd.s32 v60, v2;
	vm15 =	vgt.s32 v17, $0x0;
	v41 =	vsel vm13, $0x1, v0  }
0x10d: {  	v6 =	vld.idx.msk [tilespmem:v6+s6+$0x0], $0xffff;
	vm13 =	vgt.f32 v44, $5.000000000e-01;
	vm1 =	vmand vm11, vm12;
	v3 =	vshrl.u32 v3, $0x3  }
0x10e: {  	v33 =	vld.idx.msk [tilespmem:v19+s6+$0x0], $0xffff;
	v2 =	vadd.s32 v62, v2;
	vm0 =	vmand vm14, vm15;
	v5 =	vshrl.u32 v47, $0x3  }
0x10f: {  	vm15 =	vgt.f32 v49, $5.000000000e-01;
	v57 =	vsel vm1, $0x1, v0;
	v2 =	vadd.s32 v25, v2  }
0x110: {  	v56 =	vld [tilespmem:s28+$0xFB00];
	vm11 =	vgt.s32 v58, $0x0;
	vm8 =	vmand vm6, vm7;
	v2 =	vadd.s32 v27, v2  }
0x111: {  	v54 =	vld [tilespmem:s28+$0xFA80];
	v43 =	vsel vm0, $0x1, v0;
	vm0 =	vmand vm4, vm5;
	v2 =	vadd.s32 v30, v2  }
0x112: {  	vm6 =	vgt.f32 v32, $5.000000000e-01;
	vm4 =	vgt.s32 v6, $0x0;
	v2 =	vadd.s32 v31, v2;
	v3 =	vld.idx.msk [tilespmem:v3+s6+$0x0], $0xffff  }
0x113: {  	v52 =	vld [tilespmem:s28+$0xFA00];
	v36 =	vsel vm8, $0x1, v0;
	vm7 =	vgt.s32 v33, $0x0;
	v2 =	vadd.s32 v34, v2  }
0x114: {  	v53 =	vld.idx.msk [tilespmem:v46+s6+$0x0], $0xffff;
	v48 =	vsel vm0, $0x1, v0;
	vm0 =	vmand vm9, vm10;
	v2 =	vadd.s32 v36, v2  }
0x115: {  	v60 =	vld [tilespmem:s29+$0x8800];
	vm5 =	vmand vm15, vm4;
	vm10 =	vgt.f32 v56, $5.000000000e-01;
	v2 =	vadd.s32 v40, v2  }
0x116: {  	vm8 =	vmand vm6, vm7;
	v55 =	vsel vm0, $0x1, v0;
	v5 =	vld.idx.msk [tilespmem:v5+s6+$0x0], $0xffff;
	v2 =	vadd.s32 v41, v2  }
0x117: {  	v61 =	vsel vm5, $0x1, v0;
	v2 =	vadd.s32 v43, v2;
	vm14 =	vgt.s32 v3, $0x0;
	v3 =	vld.idx.msk [tilespmem:v50+s6+$0x0], $0xffff  }
0x118: {  	vm6 =	vgt.f32 v52, $5.000000000e-01;
	v51 =	vsel vm8, $0x1, v0;
	v2 =	vadd.s32 v48, v2  }
0x119: {  	vm7 =	vgt.s32 v53, $0x0;
	vm8 =	vgt.f32 v54, $5.000000000e-01;
	v2 =	vadd.s32 v51, v2  }
0x11a: {  	vm12 =	vgt.f32 v60, $5.000000000e-01;
	v2 =	vadd.s32 v55, v2;
	vm0 =	vmand vm13, vm14  }
0x11b: {  	v2 =	vadd.s32 v57, v2;
	vm13 =	vgt.s32 v5, $0x0;
	v59 =	vsel vm0, $0x1, v0  }
0x11c: {  	vm0 =	vmand vm6, vm7;
	v2 =	vadd.s32 v59, v2;
	vm9 =	vgt.s32 v3, $0x0  }
0x11d: {  	v2 =	vadd.s32 v61, v2;
	v3 =	vsel vm0, $0x1, v0;
	vm2 =	vmand vm8, vm9  }
0x11e: {  	vm0 =	vmand vm10, vm11;
	v2 =	vadd.s32 v3, v2;
	v3 =	vsel vm2, $0x1, v0  }
0x11f: {  	vm14 =	vmand vm12, vm13;
	v62 =	vsel vm0, $0x1, v0;
	v2 =	vadd.s32 v3, v2;
	v3 =	vld [tilespmem:s25+$0x0]  }
0x120: {  	p1 =	sne.s32 s26, $0x1F0;
	v63 =	vsel vm14, $0x1, v0;
	v2 =	vadd.s32 v62, v2  }
.Ltmp2:
0x121: {  	v2 =	vadd.s32 v63, v2;
	(pc) =	sbr.rel @p1 .LBB2_3-.Ltmp2, $4  }
0x122: {  	vm15 =	vgt.u32 v2, $0x9  }
0x123: {  	v2 =	vsel vm15, $0x1, v0  }
0x124: {  	v2 =	vor.u32 v2, v3  }
0x125: {  	s24 =	sadd.s32 $0x80, s24;
	s26 =	sadd.s32 $0x10, s26;
	[tilespmem:s25+$0x0] =	vst v2;
	s25 =	sadd.s32 $0x10, s25  }
0x126: {  	s23 =	sadd.s32 $0x1, s23  }
0x127: {  	p1 =	sne.s32 s23, $0x10  }
.Ltmp3:
0x128: {  	_ = 	snop;
	(pc) =	sbr.rel @p1 .LBB2_2-.Ltmp3, $1  }
0x129: {  	_ =	sdelay $0x3  }
0x12a: {  	v2 =	vmov s11;
	v3 =	vor.u32 s11, v1  }
0x12b: {  	v3 =	vshrl.u32 v3, $0x3;
	v2 =	vshrl.u32 v2, $0x3  }
0x12c: {  	v3 =	vand.u32 $0x7F, v3;
	v2 =	vand.u32 $0xFFFFF80, v2  }
0x12d: {  	v2 =	vor.u32 v2, v3;
	_ =	sdelay $0x2  }
0x12e: {  	s25 =	sadd.s32 $0x10, s11  }
0x12f: {  	s23 =	simm.s32 $0x0;
	s24 =	simm.s32 $0x40;
	s26 =	simm.s32 $0x80;
	v4 =	vor.u32 s25, v1;
	v3 =	vmov s25  }
.LBB2_6:
0x130: {  	p1 =	sne.s32 s26, $0x7C0;
	v4 =	vshrl.u32 v4, $0x3;
	v3 =	vshrl.u32 v3, $0x3;
	v5 =	vld.idx.msk [tilespmem:v2+s6+$0x0], $0xffff  }
0x131: {  	v2 =	vand.u32 $0x7F, v4;
	v3 =	vand.u32 $0xFFFFF80, v3  }
.Ltmp4:
0x132: {  	v2 =	vor.u32 v3, v2;
	(pc) =	sbr.rel @p1 .LBB2_6-.Ltmp4, $3  }
0x133: {  	_ =	sdelay $0x1  }
0x134: {  	s25 =	sadd.s32 $0x10, s25;
	s28 =	sshra.s32 s23, $0x2;
	s23 =	smov.u32 s24  }
0x135: {  	s24 =	smov.u32 s26;
	s26 =	sadd.s32 $0x40, s26;
	v4 =	vor.u32 s25, v1;
	v3 =	vmov s25;
	[tilespmem:s28+$0x10800] =	vst v5  }
0x136: {  	_ =	sdelay $0x2  }
0x137: {  	v4 =	vshrl.u32 v4, $0x3;
	v3 =	vshrl.u32 v3, $0x3  }
0x138: {  	v2 =	vld.idx.msk [tilespmem:v2+s6+$0x0], $0xffff;
	v4 =	vand.u32 $0x7F, v4;
	v3 =	vand.u32 $0xFFFFF80, v3  }
0x139: {  	v3 =	vor.u32 v3, v4;
	_ =	sdelay $0x2  }
0x13a: {  	s23 =	sshra.s32 s23, $0x2  }
0x13b: {  	[tilespmem:s23+$0x10800] =	vst v2  }
0x13c: {  	v2 =	vld.idx.msk [tilespmem:v3+s6+$0x0], $0xffff;
	_ =	sdelay $0x3  }
0x13d: {  	s30 =	sshra.s32 s24, $0x2  }
0x13e: {  	s31 =	simm.s32 $0x0;
	[tilespmem:s30+$0x10800] =	vst v2  }
0x13f: {  	[hbm4b:s8+s31] =	stream.linear.scatter [tilespmem:s19], [sflag:$0x3], $0x200, $0x38;
	[tilespmem:$0x10C80] =	vst v63  }
0x140: {  	_ =	swait.ge [sflag:s12], $0x200  }
0x141: {  	[sflag:s12] =	ssyncset.done $0x0  }
.Ltmp5:
0x142: {  	[sflag:s12] =	ssyncadd.s32 $0xFFFFFE00;
	(pc) =	sbr.rel @p0 .LBB2_11-.Ltmp5, $4  }
0x143: {  	[hbm4b:s9+s31] =	stream.linear.scatter [tilespmem:s20], [sflag:$0x3], $0x200, $0x38;
	[tilespmem:$0x10C80] =	vst v63  }
0x144: {  	_ =	swait.ge [sflag:s12], $0x200  }
0x145: {  	[sflag:s12] =	ssyncset.done $0x0  }
0x146: {  	[sflag:s12] =	ssyncadd.s32 $0xFFFFFE00  }
0x147: {  	s24 =	simm.s32 $0x0  }
0x148: {  	v2 =	vimm.s32 $0x0;
	s23 =	simm.s32 $0x40;
	v3 =	vld [tilespmem:s24+$0x0]  }
.LBB2_9:
0x149: {  	p1 =	sne.s32 s23, $0x1FC0  }
.Ltmp6:
0x14a: {  	_ = 	snop;
	(pc) =	sbr.rel @p1 .LBB2_9-.Ltmp6, $3  }
0x14b: {  	_ =	sdelay $0x1  }
0x14c: {  	s24 =	sshra.s32 s23, $0x2;
	s23 =	sadd.s32 $0x40, s23;
	vm0 =	vgt.s32 v2, v3  }
0x14d: {  	v2 =	vsel vm0, v2, v3;
	v3 =	vld [tilespmem:s24+$0x0]  }
.Ltmp7:
0x14e: {  	_ = 	snop;
	(pc) =	sbr.rel .LBB2_10-.Ltmp7, $1  }
0x14f: {  	_ =	sdelay $0x3  }
.LBB2_12:
0x150: {  	_ =	sfence.sel $0x180000  }
0x151: {  	[bflag:$0x0] =	sbarrier.arrive $0xFFFF  }
0x152: {  	p0 =	sne.s32 s4, $0x0;
	_ =	strace $0x90000047  }
0x153: {  	s0 =	sadd.s32 @!p0 $0x100000, s0;
	[bflag:$0x2] =	sbarrier.arrive $0xFFFF  }
0x154: {  	[sflag:s0] =	ssyncadd.tile.s32 @!p0 $0x1;
	_ =	shalt  }
.Lfunc_end2:
_tile_overlayer_lowered:
.L_overlay_start_2:
0x155: {  	(tag) =	ssettag $0x2  }
0x156: {  	s0 =	rddreg [dreg:$0x0];
	s2 =	stileid.u32  }
0x157: {  	s1 =	rddreg [dreg:$0x1];
	p0 =	sne.s32 s2, $0x0  }
0x158: {  	s3 =	rddreg [dreg:$0x2];
	[bflag:$0x3] =	sbarrier.arrive $0xFFFF;
	s2 =	simm.s32 @!p0 $0x1C03  }
0x159: {  	[timem:s3], [sflag:s2] =	dma.local @!p0 [hbm:s0], s1  }
0x15a: {  	s0 =	simm.s32 @!p0 $0x3  }
0x15b: {  	_ =	swait.ge @!p0 [sflag:s0], s1  }
0x15c: {  	s1 =	ssub.s32 @!p0 $0x0, s1;
	[sflag:s0] =	ssyncset.done @!p0 $0x0  }
0x15d: {  	[sflag:s0] =	ssyncadd.s32 @!p0 s1  }
0x15e: {  	[bflag:$0x3] =	sbarrier.arrive $0xFFFF  }
0x15f: {  	_ =	shalt  }

</sc_bundles>
